<compile_context>
chip_gen: v7x
topology: tpu7x:2x2x1
jax: 0.10.2.dev20260603
libtpu: 0.0.44.dev20260713+nightly
codegen_flags: <defaults>
</compile_context>

<pallas_src>
import dataclasses
import functools

import jax
import jax.numpy as jnp
from jax import lax
from jax.experimental import pallas as pl
from jax.experimental.pallas import tpu as pltpu
from jax.experimental.pallas import tpu_sc as plsc

_B, _N, _NF = 32, 6890, 13776
_L = 16
_NP = 6912
_NFP = 13824
_EDGE_VECS = _NF // _L


def _approx_rsqrt(s):
    i = lax.bitcast_convert_type(s, jnp.int32)
    i = jnp.int32(0x5F3759DF) - lax.shift_right_logical(i, 1)
    y = lax.bitcast_convert_type(i, jnp.float32)
    return y * (1.5 - 0.5 * s * y * y)


def _ratio_term(sa, sb):
    r = sa * _approx_rsqrt(sa * sb)
    return jnp.where(sa == sb, 0.0, jnp.abs(r - 1.0))


def _sc_losses(pre_pl, t_pl, f_pl):
    mesh = plsc.VectorSubcoreMesh(core_axis_name="c", subcore_axis_name="s")
    cp = pltpu.CompilerParams()
    if "needs_layout_passes" in pltpu.CompilerParams.__dataclass_fields__:
        cp = dataclasses.replace(cp, needs_layout_passes=False)
    if "use_tc_tiling_on_sc" in pltpu.CompilerParams.__dataclass_fields__:
        cp = dataclasses.replace(cp, use_tc_tiling_on_sc=False)

    @functools.partial(
        pl.kernel,
        compiler_params=cp,
        out_type=[
            jax.ShapeDtypeStruct((_B, _L), jnp.float32),
            jax.ShapeDtypeStruct((_B, _L), jnp.float32),
        ],
        mesh=mesh,
        scratch_types=[
            pltpu.VMEM((3 * _NP,), jnp.float32),
            pltpu.VMEM((3 * _NP,), jnp.float32),
            pltpu.VMEM((3 * _NFP,), jnp.int32),
            pltpu.VMEM((_L,), jnp.float32),
            pltpu.VMEM((_L,), jnp.float32),
            pltpu.SemaphoreType.DMA,
            pltpu.SemaphoreType.DMA,
            pltpu.SemaphoreType.DMA,
            pltpu.SemaphoreType.DMA,
        ],
    )
    def k(pre_hbm, t_hbm, f_hbm, edge_out, rec_out, pv, tv, fv, ea, ra,
          sv0, sv1, sv2, sem_f):
        wid = lax.axis_index("s") * 2 + lax.axis_index("c")
        svs = (sv0, sv1, sv2)
        vcopies = []
        fcopies = []
        for c in range(3):
            vcopies.append((
                pltpu.async_copy(
                    pre_hbm.at[c, wid], pv.at[pl.ds(c * _NP, _NP)], svs[c]),
                pltpu.async_copy(
                    t_hbm.at[c, wid], tv.at[pl.ds(c * _NP, _NP)], svs[c]),
            ))
            fcopies.append(pltpu.async_copy(
                f_hbm.at[c, wid], fv.at[pl.ds(c * _NFP, _NFP)], sem_f))

        _PL_VECS = _NP // _L

        def rec_one(base, j, acc):
            d = pv[pl.ds(base + j * _L, _L)] - tv[pl.ds(base + j * _L, _L)]
            return acc + d * d

        rec = jnp.zeros((_L,), jnp.float32)
        for c in range(3):
            vcopies[c][0].wait()
            vcopies[c][1].wait()

            def rec_body(i, acc, base=c * _NP):
                return rec_one(base, 2 * i + 1, rec_one(base, 2 * i, acc))

            rec = lax.fori_loop(0, _PL_VECS // 2, rec_body, rec)

        for cp_ in fcopies:
            cp_.wait()

        planes = tuple(
            tab.at[pl.ds(c * _NP, _NP)] for tab in (pv, tv) for c in range(3))

        def pt(which, ix):
            return (plsc.load_gather(planes[3 * which + 0], [ix]),
                    plsc.load_gather(planes[3 * which + 1], [ix]),
                    plsc.load_gather(planes[3 * which + 2], [ix]))

        def d2(a, b):
            dx = a[0] - b[0]
            dy = a[1] - b[1]
            dz = a[2] - b[2]
            return dx * dx + dy * dy + dz * dz

        def edge_one(j, acc):
            f0 = fv[pl.ds(j * _L, _L)]
            f1 = fv[pl.ds(_NFP + j * _L, _L)]
            f2 = fv[pl.ds(2 * _NFP + j * _L, _L)]
            ap1, ap2, ap3 = pt(0, f0), pt(0, f1), pt(0, f2)
            bp1, bp2, bp3 = pt(1, f0), pt(1, f1), pt(1, f2)
            term = (_ratio_term(d2(ap1, ap2), d2(bp1, bp2))
                    + _ratio_term(d2(ap1, ap3), d2(bp1, bp3))
                    + _ratio_term(d2(ap2, ap3), d2(bp2, bp3)))
            return acc + term

        def edge_body(i, acc):
            return edge_one(3 * i + 2, edge_one(3 * i + 1, edge_one(3 * i, acc)))

        edge = lax.fori_loop(0, _EDGE_VECS // 3, edge_body,
                             jnp.zeros((_L,), jnp.float32))

        ea[...] = edge
        ra[...] = rec
        pltpu.sync_copy(ea, edge_out.at[wid])
        pltpu.sync_copy(ra, rec_out.at[wid])

    return k(pre_pl, t_pl, f_pl)


def kernel(preV, tV, F):
    pre_pl = jnp.pad(jnp.transpose(preV, (2, 0, 1)),
                     ((0, 0), (0, 0), (0, _NP - _N)))
    t_pl = jnp.pad(jnp.transpose(tV, (2, 0, 1)),
                   ((0, 0), (0, 0), (0, _NP - _N)))
    f_pl = jnp.pad(jnp.transpose(F, (2, 0, 1)),
                   ((0, 0), (0, 0), (0, _NFP - _NF)))
    edge_p, rec_p = _sc_losses(pre_pl, t_pl, f_pl)
    rec_loss = jnp.sum(rec_p) / jnp.float32(_B * _N * 3)
    edg_loss = jnp.sum(edge_p) / jnp.float32(_B * _NF)
    return rec_loss, edg_loss

# --- scband reference (transcript-rebuilt; emitter-appended) ---
"""Pipeline reference for scband-pose-transfer-loss-9474697855044 (READ-ONLY COPY).

The authoritative reference and input builder live on the scoring server;
editing this copy changes nothing except your own understanding.
"""

import jax, jax.numpy as jnp
import numpy as np

B, N, NF = 32, 6890, 13776


def setup_inputs(seed: int = 0) -> dict:
    key = jax.random.key(seed)
    k1, k2, k3 = jax.random.split(key, 3)
    preV = jax.random.normal(k1, (B, N, 3), dtype=jnp.float32)
    tV = jax.random.normal(k2, (B, N, 3), dtype=jnp.float32)
    F = jax.random.randint(k3, (B, NF, 3), 0, N, dtype=jnp.int32)
    return {"preV": preV, "tV": tV, "F": F}


def _edges_length(V, Fidx):
    # V: [B, N, 3], Fidx: [B, NF, 3] int
    p1 = jnp.take_along_axis(V, Fidx[:, :, 0][:, :, None], axis=1)  # [B, NF, 3]
    p2 = jnp.take_along_axis(V, Fidx[:, :, 1][:, :, None], axis=1)
    p3 = jnp.take_along_axis(V, Fidx[:, :, 2][:, :, None], axis=1)
    e1 = jnp.sqrt(jnp.sum((p1 - p2) ** 2, axis=-1)) + 1e-05
    e2 = jnp.sqrt(jnp.sum((p1 - p3) ** 2, axis=-1)) + 1e-05
    e3 = jnp.sqrt(jnp.sum((p2 - p3) ** 2, axis=-1)) + 1e-05
    return e1, e2, e3


def _edges_length_ratio(V1, V2, Fidx):
    e11, e12, e13 = _edges_length(V1, Fidx)
    e21, e22, e23 = _edges_length(V2, Fidx)
    loss = jnp.abs(e11 / e21 - 1.0)
    loss = loss + jnp.abs(e12 / e22 - 1.0)
    loss = loss + jnp.abs(e13 / e23 - 1.0)
    return jnp.mean(loss)


def reference(preV, tV, F):
    recLoss = jnp.mean((preV - tV) ** 2)
    edgLoss = _edges_length_ratio(preV, tV, F)
    return (recLoss, edgLoss)

if __name__ == "__main__":
    import jax
    _d = setup_inputs()
    print(jax.jit(kernel)(*tuple(_d.values())))

</pallas_src>

<mosaic_0001>
#map = affine_map<(d0, d1) -> (0, 0, 0)>
#map1 = affine_map<(d0, d1) -> (0, 0)>
module attributes {stable_mosaic.version = 14 : i64} {
  func.func @k(%arg0: i32, %arg1: i32, %arg2: memref<3x32x6912xf32, #tpu.memory_space<hbm>>, %arg3: memref<3x32x6912xf32, #tpu.memory_space<hbm>>, %arg4: memref<3x32x13824xi32, #tpu.memory_space<hbm>>, %arg5: memref<32x16xf32, #tpu.memory_space<hbm>>, %arg6: memref<32x16xf32, #tpu.memory_space<hbm>>, %arg7: memref<20736xf32, #tpu.memory_space<vmem>>, %arg8: memref<20736xf32, #tpu.memory_space<vmem>>, %arg9: memref<41472xi32, #tpu.memory_space<vmem>>, %arg10: memref<16xf32, #tpu.memory_space<vmem>>, %arg11: memref<16xf32, #tpu.memory_space<vmem>>, %arg12: memref<!tpu.dma_semaphore, #tpu.memory_space<semaphore_mem>>, %arg13: memref<!tpu.dma_semaphore, #tpu.memory_space<semaphore_mem>>, %arg14: memref<!tpu.dma_semaphore, #tpu.memory_space<semaphore_mem>>, %arg15: memref<!tpu.dma_semaphore, #tpu.memory_space<semaphore_mem>>) attributes {dimension_semantics = [#tpu.dimension_semantics<core_parallel>, #tpu.dimension_semantics<subcore_parallel>], iteration_bounds = array<i64: 2, 16>, scalar_prefetch = 0 : i64, scratch_operands = 9 : i64, tpu.core_type = #tpu.core_type<sc_vector_subcore>, window_params = [{transform_indices = #map}, {transform_indices = #map}, {transform_indices = #map}, {transform_indices = #map1}, {transform_indices = #map1}]} {
    %mul3A = arith.constant 2 : i32
    %mul3A_0 = arith.muli %arg1, %mul3A : i32
    %add3A = arith.addi %mul3A_0, %arg0 : i32
    %dma_start3A = arith.constant 0 : i32
    %dma_start3A_1 = arith.constant 0 : i32
    %dma_start3A_2 = tpu.memref_slice %arg7[%dma_start3A_1] : memref<20736xf32, #tpu.memory_space<vmem>> -> memref<6912xf32, #tpu.memory_space<vmem>>
    %dma_start3A_3 = arith.constant 0 : i32
    %dma_start3A_4 = tpu.memref_slice %arg2[%dma_start3A, %add3A, %dma_start3A_3] : memref<3x32x6912xf32, #tpu.memory_space<hbm>> -> memref<1x1x6912xf32, #tpu.memory_space<hbm>>
    %dma_start3A_5 = tpu.memref_squeeze %dma_start3A_4 : memref<1x1x6912xf32, #tpu.memory_space<hbm>> -> memref<6912xf32, #tpu.memory_space<hbm>>
    %dma_start3A_6 = arith.constant 0 : i32
    %dma_start3A_7 = tpu.memref_slice %arg7[%dma_start3A_6] : memref<20736xf32, #tpu.memory_space<vmem>> -> memref<6912xf32, #tpu.memory_space<vmem>>
    %dma_start3A_8 = arith.constant 0 : i32
    %dma_start3A_9 = tpu.memref_slice %arg2[%dma_start3A, %add3A, %dma_start3A_8] : memref<3x32x6912xf32, #tpu.memory_space<hbm>> -> memref<1x1x6912xf32, #tpu.memory_space<hbm>>
    %dma_start3A_10 = tpu.memref_squeeze %dma_start3A_9 : memref<1x1x6912xf32, #tpu.memory_space<hbm>> -> memref<6912xf32, #tpu.memory_space<hbm>>
    tpu.enqueue_dma source(%dma_start3A_10 : memref<6912xf32, #tpu.memory_space<hbm>>) target(%dma_start3A_7 : memref<6912xf32, #tpu.memory_space<vmem>>) target_semaphore(%arg12 : memref<!tpu.dma_semaphore, #tpu.memory_space<semaphore_mem>>)
    %dma_start3A_11 = arith.constant 0 : i32
    %dma_start3A_12 = arith.constant 0 : i32
    %dma_start3A_13 = tpu.memref_slice %arg8[%dma_start3A_12] : memref<20736xf32, #tpu.memory_space<vmem>> -> memref<6912xf32, #tpu.memory_space<vmem>>
    %dma_start3A_14 = arith.constant 0 : i32
    %dma_start3A_15 = tpu.memref_slice %arg3[%dma_start3A_11, %add3A, %dma_start3A_14] : memref<3x32x6912xf32, #tpu.memory_space<hbm>> -> memref<1x1x6912xf32, #tpu.memory_space<hbm>>
    %dma_start3A_16 = tpu.memref_squeeze %dma_start3A_15 : memref<1x1x6912xf32, #tpu.memory_space<hbm>> -> memref<6912xf32, #tpu.memory_space<hbm>>
    %dma_start3A_17 = arith.constant 0 : i32
    %dma_start3A_18 = tpu.memref_slice %arg8[%dma_start3A_17] : memref<20736xf32, #tpu.memory_space<vmem>> -> memref<6912xf32, #tpu.memory_space<vmem>>
    %dma_start3A_19 = arith.constant 0 : i32
    %dma_start3A_20 = tpu.memref_slice %arg3[%dma_start3A_11, %add3A, %dma_start3A_19] : memref<3x32x6912xf32, #tpu.memory_space<hbm>> -> memref<1x1x6912xf32, #tpu.memory_space<hbm>>
    %dma_start3A_21 = tpu.memref_squeeze %dma_start3A_20 : memref<1x1x6912xf32, #tpu.memory_space<hbm>> -> memref<6912xf32, #tpu.memory_space<hbm>>
    tpu.enqueue_dma source(%dma_start3A_21 : memref<6912xf32, #tpu.memory_space<hbm>>) target(%dma_start3A_18 : memref<6912xf32, #tpu.memory_space<vmem>>) target_semaphore(%arg12 : memref<!tpu.dma_semaphore, #tpu.memory_space<semaphore_mem>>)
    %dma_start3A_22 = arith.constant 0 : i32
    %dma_start3A_23 = arith.constant 0 : i32
    %dma_start3A_24 = tpu.memref_slice %arg9[%dma_start3A_23] : memref<41472xi32, #tpu.memory_space<vmem>> -> memref<13824xi32, #tpu.memory_space<vmem>>
    %dma_start3A_25 = arith.constant 0 : i32
    %dma_start3A_26 = tpu.memref_slice %arg4[%dma_start3A_22, %add3A, %dma_start3A_25] : memref<3x32x13824xi32, #tpu.memory_space<hbm>> -> memref<1x1x13824xi32, #tpu.memory_space<hbm>>
    %dma_start3A_27 = tpu.memref_squeeze %dma_start3A_26 : memref<1x1x13824xi32, #tpu.memory_space<hbm>> -> memref<13824xi32, #tpu.memory_space<hbm>>
    %dma_start3A_28 = arith.constant 0 : i32
    %dma_start3A_29 = tpu.memref_slice %arg9[%dma_start3A_28] : memref<41472xi32, #tpu.memory_space<vmem>> -> memref<13824xi32, #tpu.memory_space<vmem>>
    %dma_start3A_30 = arith.constant 0 : i32
    %dma_start3A_31 = tpu.memref_slice %arg4[%dma_start3A_22, %add3A, %dma_start3A_30] : memref<3x32x13824xi32, #tpu.memory_space<hbm>> -> memref<1x1x13824xi32, #tpu.memory_space<hbm>>
    %dma_start3A_32 = tpu.memref_squeeze %dma_start3A_31 : memref<1x1x13824xi32, #tpu.memory_space<hbm>> -> memref<13824xi32, #tpu.memory_space<hbm>>
    tpu.enqueue_dma source(%dma_start3A_32 : memref<13824xi32, #tpu.memory_space<hbm>>) target(%dma_start3A_29 : memref<13824xi32, #tpu.memory_space<vmem>>) target_semaphore(%arg15 : memref<!tpu.dma_semaphore, #tpu.memory_space<semaphore_mem>>)
    %dma_start3A_33 = arith.constant 1 : i32
    %dma_start3A_34 = arith.constant 6912 : i32
    %dma_start3A_35 = tpu.memref_slice %arg7[%dma_start3A_34] : memref<20736xf32, #tpu.memory_space<vmem>> -> memref<6912xf32, #tpu.memory_space<vmem>>
    %dma_start3A_36 = arith.constant 0 : i32
    %dma_start3A_37 = tpu.memref_slice %arg2[%dma_start3A_33, %add3A, %dma_start3A_36] : memref<3x32x6912xf32, #tpu.memory_space<hbm>> -> memref<1x1x6912xf32, #tpu.memory_space<hbm>>
    %dma_start3A_38 = tpu.memref_squeeze %dma_start3A_37 : memref<1x1x6912xf32, #tpu.memory_space<hbm>> -> memref<6912xf32, #tpu.memory_space<hbm>>
    %dma_start3A_39 = arith.constant 6912 : i32
    %dma_start3A_40 = tpu.memref_slice %arg7[%dma_start3A_39] : memref<20736xf32, #tpu.memory_space<vmem>> -> memref<6912xf32, #tpu.memory_space<vmem>>
    %dma_start3A_41 = arith.constant 0 : i32
    %dma_start3A_42 = tpu.memref_slice %arg2[%dma_start3A_33, %add3A, %dma_start3A_41] : memref<3x32x6912xf32, #tpu.memory_space<hbm>> -> memref<1x1x6912xf32, #tpu.memory_space<hbm>>
    %dma_start3A_43 = tpu.memref_squeeze %dma_start3A_42 : memref<1x1x6912xf32, #tpu.memory_space<hbm>> -> memref<6912xf32, #tpu.memory_space<hbm>>
    tpu.enqueue_dma source(%dma_start3A_43 : memref<6912xf32, #tpu.memory_space<hbm>>) target(%dma_start3A_40 : memref<6912xf32, #tpu.memory_space<vmem>>) target_semaphore(%arg13 : memref<!tpu.dma_semaphore, #tpu.memory_space<semaphore_mem>>)
    %dma_start3A_44 = arith.constant 1 : i32
    %dma_start3A_45 = arith.constant 6912 : i32
    %dma_start3A_46 = tpu.memref_slice %arg8[%dma_start3A_45] : memref<20736xf32, #tpu.memory_space<vmem>> -> memref<6912xf32, #tpu.memory_space<vmem>>
    %dma_start3A_47 = arith.constant 0 : i32
    %dma_start3A_48 = tpu.memref_slice %arg3[%dma_start3A_44, %add3A, %dma_start3A_47] : memref<3x32x6912xf32, #tpu.memory_space<hbm>> -> memref<1x1x6912xf32, #tpu.memory_space<hbm>>
    %dma_start3A_49 = tpu.memref_squeeze %dma_start3A_48 : memref<1x1x6912xf32, #tpu.memory_space<hbm>> -> memref<6912xf32, #tpu.memory_space<hbm>>
    %dma_start3A_50 = arith.constant 6912 : i32
    %dma_start3A_51 = tpu.memref_slice %arg8[%dma_start3A_50] : memref<20736xf32, #tpu.memory_space<vmem>> -> memref<6912xf32, #tpu.memory_space<vmem>>
    %dma_start3A_52 = arith.constant 0 : i32
    %dma_start3A_53 = tpu.memref_slice %arg3[%dma_start3A_44, %add3A, %dma_start3A_52] : memref<3x32x6912xf32, #tpu.memory_space<hbm>> -> memref<1x1x6912xf32, #tpu.memory_space<hbm>>
    %dma_start3A_54 = tpu.memref_squeeze %dma_start3A_53 : memref<1x1x6912xf32, #tpu.memory_space<hbm>> -> memref<6912xf32, #tpu.memory_space<hbm>>
    tpu.enqueue_dma source(%dma_start3A_54 : memref<6912xf32, #tpu.memory_space<hbm>>) target(%dma_start3A_51 : memref<6912xf32, #tpu.memory_space<vmem>>) target_semaphore(%arg13 : memref<!tpu.dma_semaphore, #tpu.memory_space<semaphore_mem>>)
    %dma_start3A_55 = arith.constant 1 : i32
    %dma_start3A_56 = arith.constant 13824 : i32
    %dma_start3A_57 = tpu.memref_slice %arg9[%dma_start3A_56] : memref<41472xi32, #tpu.memory_space<vmem>> -> memref<13824xi32, #tpu.memory_space<vmem>>
    %dma_start3A_58 = arith.constant 0 : i32
    %dma_start3A_59 = tpu.memref_slice %arg4[%dma_start3A_55, %add3A, %dma_start3A_58] : memref<3x32x13824xi32, #tpu.memory_space<hbm>> -> memref<1x1x13824xi32, #tpu.memory_space<hbm>>
    %dma_start3A_60 = tpu.memref_squeeze %dma_start3A_59 : memref<1x1x13824xi32, #tpu.memory_space<hbm>> -> memref<13824xi32, #tpu.memory_space<hbm>>
    %dma_start3A_61 = arith.constant 13824 : i32
    %dma_start3A_62 = tpu.memref_slice %arg9[%dma_start3A_61] : memref<41472xi32, #tpu.memory_space<vmem>> -> memref<13824xi32, #tpu.memory_space<vmem>>
    %dma_start3A_63 = arith.constant 0 : i32
    %dma_start3A_64 = tpu.memref_slice %arg4[%dma_start3A_55, %add3A, %dma_start3A_63] : memref<3x32x13824xi32, #tpu.memory_space<hbm>> -> memref<1x1x13824xi32, #tpu.memory_space<hbm>>
    %dma_start3A_65 = tpu.memref_squeeze %dma_start3A_64 : memref<1x1x13824xi32, #tpu.memory_space<hbm>> -> memref<13824xi32, #tpu.memory_space<hbm>>
    tpu.enqueue_dma source(%dma_start3A_65 : memref<13824xi32, #tpu.memory_space<hbm>>) target(%dma_start3A_62 : memref<13824xi32, #tpu.memory_space<vmem>>) target_semaphore(%arg15 : memref<!tpu.dma_semaphore, #tpu.memory_space<semaphore_mem>>)
    %dma_start3A_66 = arith.constant 2 : i32
    %dma_start3A_67 = arith.constant 13824 : i32
    %dma_start3A_68 = tpu.memref_slice %arg7[%dma_start3A_67] : memref<20736xf32, #tpu.memory_space<vmem>> -> memref<6912xf32, #tpu.memory_space<vmem>>
    %dma_start3A_69 = arith.constant 0 : i32
    %dma_start3A_70 = tpu.memref_slice %arg2[%dma_start3A_66, %add3A, %dma_start3A_69] : memref<3x32x6912xf32, #tpu.memory_space<hbm>> -> memref<1x1x6912xf32, #tpu.memory_space<hbm>>
    %dma_start3A_71 = tpu.memref_squeeze %dma_start3A_70 : memref<1x1x6912xf32, #tpu.memory_space<hbm>> -> memref<6912xf32, #tpu.memory_space<hbm>>
    %dma_start3A_72 = arith.constant 13824 : i32
    %dma_start3A_73 = tpu.memref_slice %arg7[%dma_start3A_72] : memref<20736xf32, #tpu.memory_space<vmem>> -> memref<6912xf32, #tpu.memory_space<vmem>>
    %dma_start3A_74 = arith.constant 0 : i32
    %dma_start3A_75 = tpu.memref_slice %arg2[%dma_start3A_66, %add3A, %dma_start3A_74] : memref<3x32x6912xf32, #tpu.memory_space<hbm>> -> memref<1x1x6912xf32, #tpu.memory_space<hbm>>
    %dma_start3A_76 = tpu.memref_squeeze %dma_start3A_75 : memref<1x1x6912xf32, #tpu.memory_space<hbm>> -> memref<6912xf32, #tpu.memory_space<hbm>>
    tpu.enqueue_dma source(%dma_start3A_76 : memref<6912xf32, #tpu.memory_space<hbm>>) target(%dma_start3A_73 : memref<6912xf32, #tpu.memory_space<vmem>>) target_semaphore(%arg14 : memref<!tpu.dma_semaphore, #tpu.memory_space<semaphore_mem>>)
    %dma_start3A_77 = arith.constant 2 : i32
    %dma_start3A_78 = arith.constant 13824 : i32
    %dma_start3A_79 = tpu.memref_slice %arg8[%dma_start3A_78] : memref<20736xf32, #tpu.memory_space<vmem>> -> memref<6912xf32, #tpu.memory_space<vmem>>
    %dma_start3A_80 = arith.constant 0 : i32
    %dma_start3A_81 = tpu.memref_slice %arg3[%dma_start3A_77, %add3A, %dma_start3A_80] : memref<3x32x6912xf32, #tpu.memory_space<hbm>> -> memref<1x1x6912xf32, #tpu.memory_space<hbm>>
    %dma_start3A_82 = tpu.memref_squeeze %dma_start3A_81 : memref<1x1x6912xf32, #tpu.memory_space<hbm>> -> memref<6912xf32, #tpu.memory_space<hbm>>
    %dma_start3A_83 = arith.constant 13824 : i32
    %dma_start3A_84 = tpu.memref_slice %arg8[%dma_start3A_83] : memref<20736xf32, #tpu.memory_space<vmem>> -> memref<6912xf32, #tpu.memory_space<vmem>>
    %dma_start3A_85 = arith.constant 0 : i32
    %dma_start3A_86 = tpu.memref_slice %arg3[%dma_start3A_77, %add3A, %dma_start3A_85] : memref<3x32x6912xf32, #tpu.memory_space<hbm>> -> memref<1x1x6912xf32, #tpu.memory_space<hbm>>
    %dma_start3A_87 = tpu.memref_squeeze %dma_start3A_86 : memref<1x1x6912xf32, #tpu.memory_space<hbm>> -> memref<6912xf32, #tpu.memory_space<hbm>>
    tpu.enqueue_dma source(%dma_start3A_87 : memref<6912xf32, #tpu.memory_space<hbm>>) target(%dma_start3A_84 : memref<6912xf32, #tpu.memory_space<vmem>>) target_semaphore(%arg14 : memref<!tpu.dma_semaphore, #tpu.memory_space<semaphore_mem>>)
    %dma_start3A_88 = arith.constant 2 : i32
    %dma_start3A_89 = arith.constant 27648 : i32
    %dma_start3A_90 = tpu.memref_slice %arg9[%dma_start3A_89] : memref<41472xi32, #tpu.memory_space<vmem>> -> memref<13824xi32, #tpu.memory_space<vmem>>
    %dma_start3A_91 = arith.constant 0 : i32
    %dma_start3A_92 = tpu.memref_slice %arg4[%dma_start3A_88, %add3A, %dma_start3A_91] : memref<3x32x13824xi32, #tpu.memory_space<hbm>> -> memref<1x1x13824xi32, #tpu.memory_space<hbm>>
    %dma_start3A_93 = tpu.memref_squeeze %dma_start3A_92 : memref<1x1x13824xi32, #tpu.memory_space<hbm>> -> memref<13824xi32, #tpu.memory_space<hbm>>
    %dma_start3A_94 = arith.constant 27648 : i32
    %dma_start3A_95 = tpu.memref_slice %arg9[%dma_start3A_94] : memref<41472xi32, #tpu.memory_space<vmem>> -> memref<13824xi32, #tpu.memory_space<vmem>>
    %dma_start3A_96 = arith.constant 0 : i32
    %dma_start3A_97 = tpu.memref_slice %arg4[%dma_start3A_88, %add3A, %dma_start3A_96] : memref<3x32x13824xi32, #tpu.memory_space<hbm>> -> memref<1x1x13824xi32, #tpu.memory_space<hbm>>
    %dma_start3A_98 = tpu.memref_squeeze %dma_start3A_97 : memref<1x1x13824xi32, #tpu.memory_space<hbm>> -> memref<13824xi32, #tpu.memory_space<hbm>>
    tpu.enqueue_dma source(%dma_start3A_98 : memref<13824xi32, #tpu.memory_space<hbm>>) target(%dma_start3A_95 : memref<13824xi32, #tpu.memory_space<vmem>>) target_semaphore(%arg15 : memref<!tpu.dma_semaphore, #tpu.memory_space<semaphore_mem>>)
    %broadcast_in_dim3A = arith.constant 0.000000e+00 : f32
    %broadcast_in_dim3A_99 = vector.broadcast %broadcast_in_dim3A : f32 to vector<16xf32>
    %dma_wait3A = arith.constant 0 : i32
    %dma_wait3A_100 = arith.constant 0 : i32
    %dma_wait3A_101 = tpu.memref_slice %arg7[%dma_wait3A_100] : memref<20736xf32, #tpu.memory_space<vmem>> -> memref<6912xf32, #tpu.memory_space<vmem>>
    %dma_wait3A_102 = arith.constant 0 : i32
    %dma_wait3A_103 = tpu.memref_slice %arg2[%dma_wait3A, %add3A, %dma_wait3A_102] : memref<3x32x6912xf32, #tpu.memory_space<hbm>> -> memref<1x1x6912xf32, #tpu.memory_space<hbm>>
    %dma_wait3A_104 = tpu.memref_squeeze %dma_wait3A_103 : memref<1x1x6912xf32, #tpu.memory_space<hbm>> -> memref<6912xf32, #tpu.memory_space<hbm>>
    %dma_wait3A_105 = arith.constant 0 : i32
    %dma_wait3A_106 = tpu.memref_slice %arg7[%dma_wait3A_105] : memref<20736xf32, #tpu.memory_space<vmem>> -> memref<6912xf32, #tpu.memory_space<vmem>>
    %dma_wait3A_107 = arith.constant 0 : i32
    %dma_wait3A_108 = tpu.memref_slice %arg2[%dma_wait3A, %add3A, %dma_wait3A_107] : memref<3x32x6912xf32, #tpu.memory_space<hbm>> -> memref<1x1x6912xf32, #tpu.memory_space<hbm>>
    %dma_wait3A_109 = tpu.memref_squeeze %dma_wait3A_108 : memref<1x1x6912xf32, #tpu.memory_space<hbm>> -> memref<6912xf32, #tpu.memory_space<hbm>>
    tpu.wait_dma2 semaphore(%arg12 : memref<!tpu.dma_semaphore, #tpu.memory_space<semaphore_mem>>) src(%dma_wait3A_109 : memref<6912xf32, #tpu.memory_space<hbm>>) dst(%dma_wait3A_106 : memref<6912xf32, #tpu.memory_space<vmem>>)
    %dma_wait3A_110 = arith.constant 0 : i32
    %dma_wait3A_111 = arith.constant 0 : i32
    %dma_wait3A_112 = tpu.memref_slice %arg8[%dma_wait3A_111] : memref<20736xf32, #tpu.memory_space<vmem>> -> memref<6912xf32, #tpu.memory_space<vmem>>
    %dma_wait3A_113 = arith.constant 0 : i32
    %dma_wait3A_114 = tpu.memref_slice %arg3[%dma_wait3A_110, %add3A, %dma_wait3A_113] : memref<3x32x6912xf32, #tpu.memory_space<hbm>> -> memref<1x1x6912xf32, #tpu.memory_space<hbm>>
    %dma_wait3A_115 = tpu.memref_squeeze %dma_wait3A_114 : memref<1x1x6912xf32, #tpu.memory_space<hbm>> -> memref<6912xf32, #tpu.memory_space<hbm>>
    %dma_wait3A_116 = arith.constant 0 : i32
    %dma_wait3A_117 = tpu.memref_slice %arg8[%dma_wait3A_116] : memref<20736xf32, #tpu.memory_space<vmem>> -> memref<6912xf32, #tpu.memory_space<vmem>>
    %dma_wait3A_118 = arith.constant 0 : i32
    %dma_wait3A_119 = tpu.memref_slice %arg3[%dma_wait3A_110, %add3A, %dma_wait3A_118] : memref<3x32x6912xf32, #tpu.memory_space<hbm>> -> memref<1x1x6912xf32, #tpu.memory_space<hbm>>
    %dma_wait3A_120 = tpu.memref_squeeze %dma_wait3A_119 : memref<1x1x6912xf32, #tpu.memory_space<hbm>> -> memref<6912xf32, #tpu.memory_space<hbm>>
    tpu.wait_dma2 semaphore(%arg12 : memref<!tpu.dma_semaphore, #tpu.memory_space<semaphore_mem>>) src(%dma_wait3A_120 : memref<6912xf32, #tpu.memory_space<hbm>>) dst(%dma_wait3A_117 : memref<6912xf32, #tpu.memory_space<vmem>>)
    %scan3A = arith.constant 0 : i32
    %scan3A_121 = arith.constant 216 : i32
    %scan3A_122 = arith.addi %scan3A, %scan3A_121 : i32
    %scan3A_123 = arith.constant 1 : i32
    %scan3A_124 = scf.for %scan3A_226 = %scan3A to %scan3A_122 step %scan3A_123 iter_args(%scan3A_227 = %broadcast_in_dim3A_99) -> (vector<16xf32>)  : i32 {
      %mul3A_228 = arith.constant 2 : i32
      %mul3A_229 = arith.muli %mul3A_228, %scan3A_226 : i32
      %add3A_230 = arith.constant 1 : i32
      %add3A_231 = arith.addi %mul3A_229, %add3A_230 : i32
      %mul3A_232 = arith.constant 2 : i32
      %mul3A_233 = arith.muli %mul3A_232, %scan3A_226 : i32
      %mul3A_234 = arith.constant 16 : i32
      %mul3A_235 = arith.muli %mul3A_233, %mul3A_234 : i32
      %add3A_236 = arith.constant 0 : i32
      %add3A_237 = arith.addi %add3A_236, %mul3A_235 : i32
      %get3A = arith.index_cast %add3A_237 : i32 to index
      %get3A_238 = tpu.vector_load %arg7[%get3A] {strides = array<i32>} : memref<20736xf32, #tpu.memory_space<vmem>>, vector<16xf32>,
      %mul3A_239 = arith.constant 16 : i32
      %mul3A_240 = arith.muli %mul3A_233, %mul3A_239 : i32
      %add3A_241 = arith.constant 0 : i32
      %add3A_242 = arith.addi %add3A_241, %mul3A_240 : i32
      %get3A_243 = arith.index_cast %add3A_242 : i32 to index
      %get3A_244 = tpu.vector_load %arg8[%get3A_243] {strides = array<i32>} : memref<20736xf32, #tpu.memory_space<vmem>>, vector<16xf32>,
      %sub3A = arith.subf %get3A_238, %get3A_244 : vector<16xf32>
      %mul3A_245 = arith.mulf %sub3A, %sub3A : vector<16xf32>
      %add3A_246 = arith.addf %scan3A_227, %mul3A_245 : vector<16xf32>
      %mul3A_247 = arith.constant 16 : i32
      %mul3A_248 = arith.muli %add3A_231, %mul3A_247 : i32
      %add3A_249 = arith.constant 0 : i32
      %add3A_250 = arith.addi %add3A_249, %mul3A_248 : i32
      %get3A_251 = arith.index_cast %add3A_250 : i32 to index
      %get3A_252 = tpu.vector_load %arg7[%get3A_251] {strides = array<i32>} : memref<20736xf32, #tpu.memory_space<vmem>>, vector<16xf32>,
      %mul3A_253 = arith.constant 16 : i32
      %mul3A_254 = arith.muli %add3A_231, %mul3A_253 : i32
      %add3A_255 = arith.constant 0 : i32
      %add3A_256 = arith.addi %add3A_255, %mul3A_254 : i32
      %get3A_257 = arith.index_cast %add3A_256 : i32 to index
      %get3A_258 = tpu.vector_load %arg8[%get3A_257] {strides = array<i32>} : memref<20736xf32, #tpu.memory_space<vmem>>, vector<16xf32>,
      %sub3A_259 = arith.subf %get3A_252, %get3A_258 : vector<16xf32>
      %mul3A_260 = arith.mulf %sub3A_259, %sub3A_259 : vector<16xf32>
      %add3A_261 = arith.addf %add3A_246, %mul3A_260 : vector<16xf32>
      scf.yield %add3A_261 : vector<16xf32>
    }
    %scan3A_125 = arith.constant 216 : i32
    %dma_wait3A_126 = arith.constant 1 : i32
    %dma_wait3A_127 = arith.constant 6912 : i32
    %dma_wait3A_128 = tpu.memref_slice %arg7[%dma_wait3A_127] : memref<20736xf32, #tpu.memory_space<vmem>> -> memref<6912xf32, #tpu.memory_space<vmem>>
    %dma_wait3A_129 = arith.constant 0 : i32
    %dma_wait3A_130 = tpu.memref_slice %arg2[%dma_wait3A_126, %add3A, %dma_wait3A_129] : memref<3x32x6912xf32, #tpu.memory_space<hbm>> -> memref<1x1x6912xf32, #tpu.memory_space<hbm>>
    %dma_wait3A_131 = tpu.memref_squeeze %dma_wait3A_130 : memref<1x1x6912xf32, #tpu.memory_space<hbm>> -> memref<6912xf32, #tpu.memory_space<hbm>>
    %dma_wait3A_132 = arith.constant 6912 : i32
    %dma_wait3A_133 = tpu.memref_slice %arg7[%dma_wait3A_132] : memref<20736xf32, #tpu.memory_space<vmem>> -> memref<6912xf32, #tpu.memory_space<vmem>>
    %dma_wait3A_134 = arith.constant 0 : i32
    %dma_wait3A_135 = tpu.memref_slice %arg2[%dma_wait3A_126, %add3A, %dma_wait3A_134] : memref<3x32x6912xf32, #tpu.memory_space<hbm>> -> memref<1x1x6912xf32, #tpu.memory_space<hbm>>
    %dma_wait3A_136 = tpu.memref_squeeze %dma_wait3A_135 : memref<1x1x6912xf32, #tpu.memory_space<hbm>> -> memref<6912xf32, #tpu.memory_space<hbm>>
    tpu.wait_dma2 semaphore(%arg13 : memref<!tpu.dma_semaphore, #tpu.memory_space<semaphore_mem>>) src(%dma_wait3A_136 : memref<6912xf32, #tpu.memory_space<hbm>>) dst(%dma_wait3A_133 : memref<6912xf32, #tpu.memory_space<vmem>>)
    %dma_wait3A_137 = arith.constant 1 : i32
    %dma_wait3A_138 = arith.constant 6912 : i32
    %dma_wait3A_139 = tpu.memref_slice %arg8[%dma_wait3A_138] : memref<20736xf32, #tpu.memory_space<vmem>> -> memref<6912xf32, #tpu.memory_space<vmem>>
    %dma_wait3A_140 = arith.constant 0 : i32
    %dma_wait3A_141 = tpu.memref_slice %arg3[%dma_wait3A_137, %add3A, %dma_wait3A_140] : memref<3x32x6912xf32, #tpu.memory_space<hbm>> -> memref<1x1x6912xf32, #tpu.memory_space<hbm>>
    %dma_wait3A_142 = tpu.memref_squeeze %dma_wait3A_141 : memref<1x1x6912xf32, #tpu.memory_space<hbm>> -> memref<6912xf32, #tpu.memory_space<hbm>>
    %dma_wait3A_143 = arith.constant 6912 : i32
    %dma_wait3A_144 = tpu.memref_slice %arg8[%dma_wait3A_143] : memref<20736xf32, #tpu.memory_space<vmem>> -> memref<6912xf32, #tpu.memory_space<vmem>>
    %dma_wait3A_145 = arith.constant 0 : i32
    %dma_wait3A_146 = tpu.memref_slice %arg3[%dma_wait3A_137, %add3A, %dma_wait3A_145] : memref<3x32x6912xf32, #tpu.memory_space<hbm>> -> memref<1x1x6912xf32, #tpu.memory_space<hbm>>
    %dma_wait3A_147 = tpu.memref_squeeze %dma_wait3A_146 : memref<1x1x6912xf32, #tpu.memory_space<hbm>> -> memref<6912xf32, #tpu.memory_space<hbm>>
    tpu.wait_dma2 semaphore(%arg13 : memref<!tpu.dma_semaphore, #tpu.memory_space<semaphore_mem>>) src(%dma_wait3A_147 : memref<6912xf32, #tpu.memory_space<hbm>>) dst(%dma_wait3A_144 : memref<6912xf32, #tpu.memory_space<vmem>>)
    %scan3A_148 = arith.constant 0 : i32
    %scan3A_149 = arith.constant 216 : i32
    %scan3A_150 = arith.addi %scan3A_148, %scan3A_149 : i32
    %scan3A_151 = arith.constant 1 : i32
    %scan3A_152 = scf.for %scan3A_226 = %scan3A_148 to %scan3A_150 step %scan3A_151 iter_args(%scan3A_227 = %scan3A_124) -> (vector<16xf32>)  : i32 {
      %mul3A_228 = arith.constant 2 : i32
      %mul3A_229 = arith.muli %mul3A_228, %scan3A_226 : i32
      %add3A_230 = arith.constant 1 : i32
      %add3A_231 = arith.addi %mul3A_229, %add3A_230 : i32
      %mul3A_232 = arith.constant 2 : i32
      %mul3A_233 = arith.muli %mul3A_232, %scan3A_226 : i32
      %mul3A_234 = arith.constant 16 : i32
      %mul3A_235 = arith.muli %mul3A_233, %mul3A_234 : i32
      %add3A_236 = arith.constant 6912 : i32
      %add3A_237 = arith.addi %add3A_236, %mul3A_235 : i32
      %get3A = arith.index_cast %add3A_237 : i32 to index
      %get3A_238 = tpu.vector_load %arg7[%get3A] {strides = array<i32>} : memref<20736xf32, #tpu.memory_space<vmem>>, vector<16xf32>,
      %mul3A_239 = arith.constant 16 : i32
      %mul3A_240 = arith.muli %mul3A_233, %mul3A_239 : i32
      %add3A_241 = arith.constant 6912 : i32
      %add3A_242 = arith.addi %add3A_241, %mul3A_240 : i32
      %get3A_243 = arith.index_cast %add3A_242 : i32 to index
      %get3A_244 = tpu.vector_load %arg8[%get3A_243] {strides = array<i32>} : memref<20736xf32, #tpu.memory_space<vmem>>, vector<16xf32>,
      %sub3A = arith.subf %get3A_238, %get3A_244 : vector<16xf32>
      %mul3A_245 = arith.mulf %sub3A, %sub3A : vector<16xf32>
      %add3A_246 = arith.addf %scan3A_227, %mul3A_245 : vector<16xf32>
      %mul3A_247 = arith.constant 16 : i32
      %mul3A_248 = arith.muli %add3A_231, %mul3A_247 : i32
      %add3A_249 = arith.constant 6912 : i32
      %add3A_250 = arith.addi %add3A_249, %mul3A_248 : i32
      %get3A_251 = arith.index_cast %add3A_250 : i32 to index
      %get3A_252 = tpu.vector_load %arg7[%get3A_251] {strides = array<i32>} : memref<20736xf32, #tpu.memory_space<vmem>>, vector<16xf32>,
      %mul3A_253 = arith.constant 16 : i32
      %mul3A_254 = arith.muli %add3A_231, %mul3A_253 : i32
      %add3A_255 = arith.constant 6912 : i32
      %add3A_256 = arith.addi %add3A_255, %mul3A_254 : i32
      %get3A_257 = arith.index_cast %add3A_256 : i32 to index
      %get3A_258 = tpu.vector_load %arg8[%get3A_257] {strides = array<i32>} : memref<20736xf32, #tpu.memory_space<vmem>>, vector<16xf32>,
      %sub3A_259 = arith.subf %get3A_252, %get3A_258 : vector<16xf32>
      %mul3A_260 = arith.mulf %sub3A_259, %sub3A_259 : vector<16xf32>
      %add3A_261 = arith.addf %add3A_246, %mul3A_260 : vector<16xf32>
      scf.yield %add3A_261 : vector<16xf32>
    }
    %scan3A_153 = arith.constant 216 : i32
    %dma_wait3A_154 = arith.constant 2 : i32
    %dma_wait3A_155 = arith.constant 13824 : i32
    %dma_wait3A_156 = tpu.memref_slice %arg7[%dma_wait3A_155] : memref<20736xf32, #tpu.memory_space<vmem>> -> memref<6912xf32, #tpu.memory_space<vmem>>
    %dma_wait3A_157 = arith.constant 0 : i32
    %dma_wait3A_158 = tpu.memref_slice %arg2[%dma_wait3A_154, %add3A, %dma_wait3A_157] : memref<3x32x6912xf32, #tpu.memory_space<hbm>> -> memref<1x1x6912xf32, #tpu.memory_space<hbm>>
    %dma_wait3A_159 = tpu.memref_squeeze %dma_wait3A_158 : memref<1x1x6912xf32, #tpu.memory_space<hbm>> -> memref<6912xf32, #tpu.memory_space<hbm>>
    %dma_wait3A_160 = arith.constant 13824 : i32
    %dma_wait3A_161 = tpu.memref_slice %arg7[%dma_wait3A_160] : memref<20736xf32, #tpu.memory_space<vmem>> -> memref<6912xf32, #tpu.memory_space<vmem>>
    %dma_wait3A_162 = arith.constant 0 : i32
    %dma_wait3A_163 = tpu.memref_slice %arg2[%dma_wait3A_154, %add3A, %dma_wait3A_162] : memref<3x32x6912xf32, #tpu.memory_space<hbm>> -> memref<1x1x6912xf32, #tpu.memory_space<hbm>>
    %dma_wait3A_164 = tpu.memref_squeeze %dma_wait3A_163 : memref<1x1x6912xf32, #tpu.memory_space<hbm>> -> memref<6912xf32, #tpu.memory_space<hbm>>
    tpu.wait_dma2 semaphore(%arg14 : memref<!tpu.dma_semaphore, #tpu.memory_space<semaphore_mem>>) src(%dma_wait3A_164 : memref<6912xf32, #tpu.memory_space<hbm>>) dst(%dma_wait3A_161 : memref<6912xf32, #tpu.memory_space<vmem>>)
    %dma_wait3A_165 = arith.constant 2 : i32
    %dma_wait3A_166 = arith.constant 13824 : i32
    %dma_wait3A_167 = tpu.memref_slice %arg8[%dma_wait3A_166] : memref<20736xf32, #tpu.memory_space<vmem>> -> memref<6912xf32, #tpu.memory_space<vmem>>
    %dma_wait3A_168 = arith.constant 0 : i32
    %dma_wait3A_169 = tpu.memref_slice %arg3[%dma_wait3A_165, %add3A, %dma_wait3A_168] : memref<3x32x6912xf32, #tpu.memory_space<hbm>> -> memref<1x1x6912xf32, #tpu.memory_space<hbm>>
    %dma_wait3A_170 = tpu.memref_squeeze %dma_wait3A_169 : memref<1x1x6912xf32, #tpu.memory_space<hbm>> -> memref<6912xf32, #tpu.memory_space<hbm>>
    %dma_wait3A_171 = arith.constant 13824 : i32
    %dma_wait3A_172 = tpu.memref_slice %arg8[%dma_wait3A_171] : memref<20736xf32, #tpu.memory_space<vmem>> -> memref<6912xf32, #tpu.memory_space<vmem>>
    %dma_wait3A_173 = arith.constant 0 : i32
    %dma_wait3A_174 = tpu.memref_slice %arg3[%dma_wait3A_165, %add3A, %dma_wait3A_173] : memref<3x32x6912xf32, #tpu.memory_space<hbm>> -> memref<1x1x6912xf32, #tpu.memory_space<hbm>>
    %dma_wait3A_175 = tpu.memref_squeeze %dma_wait3A_174 : memref<1x1x6912xf32, #tpu.memory_space<hbm>> -> memref<6912xf32, #tpu.memory_space<hbm>>
    tpu.wait_dma2 semaphore(%arg14 : memref<!tpu.dma_semaphore, #tpu.memory_space<semaphore_mem>>) src(%dma_wait3A_175 : memref<6912xf32, #tpu.memory_space<hbm>>) dst(%dma_wait3A_172 : memref<6912xf32, #tpu.memory_space<vmem>>)
    %scan3A_176 = arith.constant 0 : i32
    %scan3A_177 = arith.constant 216 : i32
    %scan3A_178 = arith.addi %scan3A_176, %scan3A_177 : i32
    %scan3A_179 = arith.constant 1 : i32
    %scan3A_180 = scf.for %scan3A_226 = %scan3A_176 to %scan3A_178 step %scan3A_179 iter_args(%scan3A_227 = %scan3A_152) -> (vector<16xf32>)  : i32 {
      %mul3A_228 = arith.constant 2 : i32
      %mul3A_229 = arith.muli %mul3A_228, %scan3A_226 : i32
      %add3A_230 = arith.constant 1 : i32
      %add3A_231 = arith.addi %mul3A_229, %add3A_230 : i32
      %mul3A_232 = arith.constant 2 : i32
      %mul3A_233 = arith.muli %mul3A_232, %scan3A_226 : i32
      %mul3A_234 = arith.constant 16 : i32
      %mul3A_235 = arith.muli %mul3A_233, %mul3A_234 : i32
      %add3A_236 = arith.constant 13824 : i32
      %add3A_237 = arith.addi %add3A_236, %mul3A_235 : i32
      %get3A = arith.index_cast %add3A_237 : i32 to index
      %get3A_238 = tpu.vector_load %arg7[%get3A] {strides = array<i32>} : memref<20736xf32, #tpu.memory_space<vmem>>, vector<16xf32>,
      %mul3A_239 = arith.constant 16 : i32
      %mul3A_240 = arith.muli %mul3A_233, %mul3A_239 : i32
      %add3A_241 = arith.constant 13824 : i32
      %add3A_242 = arith.addi %add3A_241, %mul3A_240 : i32
      %get3A_243 = arith.index_cast %add3A_242 : i32 to index
      %get3A_244 = tpu.vector_load %arg8[%get3A_243] {strides = array<i32>} : memref<20736xf32, #tpu.memory_space<vmem>>, vector<16xf32>,
      %sub3A = arith.subf %get3A_238, %get3A_244 : vector<16xf32>
      %mul3A_245 = arith.mulf %sub3A, %sub3A : vector<16xf32>
      %add3A_246 = arith.addf %scan3A_227, %mul3A_245 : vector<16xf32>
      %mul3A_247 = arith.constant 16 : i32
      %mul3A_248 = arith.muli %add3A_231, %mul3A_247 : i32
      %add3A_249 = arith.constant 13824 : i32
      %add3A_250 = arith.addi %add3A_249, %mul3A_248 : i32
      %get3A_251 = arith.index_cast %add3A_250 : i32 to index
      %get3A_252 = tpu.vector_load %arg7[%get3A_251] {strides = array<i32>} : memref<20736xf32, #tpu.memory_space<vmem>>, vector<16xf32>,
      %mul3A_253 = arith.constant 16 : i32
      %mul3A_254 = arith.muli %add3A_231, %mul3A_253 : i32
      %add3A_255 = arith.constant 13824 : i32
      %add3A_256 = arith.addi %add3A_255, %mul3A_254 : i32
      %get3A_257 = arith.index_cast %add3A_256 : i32 to index
      %get3A_258 = tpu.vector_load %arg8[%get3A_257] {strides = array<i32>} : memref<20736xf32, #tpu.memory_space<vmem>>, vector<16xf32>,
      %sub3A_259 = arith.subf %get3A_252, %get3A_258 : vector<16xf32>
      %mul3A_260 = arith.mulf %sub3A_259, %sub3A_259 : vector<16xf32>
      %add3A_261 = arith.addf %add3A_246, %mul3A_260 : vector<16xf32>
      scf.yield %add3A_261 : vector<16xf32>
    }
    %scan3A_181 = arith.constant 216 : i32
    %dma_wait3A_182 = arith.constant 0 : i32
    %dma_wait3A_183 = arith.constant 0 : i32
    %dma_wait3A_184 = tpu.memref_slice %arg9[%dma_wait3A_183] : memref<41472xi32, #tpu.memory_space<vmem>> -> memref<13824xi32, #tpu.memory_space<vmem>>
    %dma_wait3A_185 = arith.constant 0 : i32
    %dma_wait3A_186 = tpu.memref_slice %arg4[%dma_wait3A_182, %add3A, %dma_wait3A_185] : memref<3x32x13824xi32, #tpu.memory_space<hbm>> -> memref<1x1x13824xi32, #tpu.memory_space<hbm>>
    %dma_wait3A_187 = tpu.memref_squeeze %dma_wait3A_186 : memref<1x1x13824xi32, #tpu.memory_space<hbm>> -> memref<13824xi32, #tpu.memory_space<hbm>>
    %dma_wait3A_188 = arith.constant 0 : i32
    %dma_wait3A_189 = tpu.memref_slice %arg9[%dma_wait3A_188] : memref<41472xi32, #tpu.memory_space<vmem>> -> memref<13824xi32, #tpu.memory_space<vmem>>
    %dma_wait3A_190 = arith.constant 0 : i32
    %dma_wait3A_191 = tpu.memref_slice %arg4[%dma_wait3A_182, %add3A, %dma_wait3A_190] : memref<3x32x13824xi32, #tpu.memory_space<hbm>> -> memref<1x1x13824xi32, #tpu.memory_space<hbm>>
    %dma_wait3A_192 = tpu.memref_squeeze %dma_wait3A_191 : memref<1x1x13824xi32, #tpu.memory_space<hbm>> -> memref<13824xi32, #tpu.memory_space<hbm>>
    tpu.wait_dma2 semaphore(%arg15 : memref<!tpu.dma_semaphore, #tpu.memory_space<semaphore_mem>>) src(%dma_wait3A_192 : memref<13824xi32, #tpu.memory_space<hbm>>) dst(%dma_wait3A_189 : memref<13824xi32, #tpu.memory_space<vmem>>)
    %dma_wait3A_193 = arith.constant 1 : i32
    %dma_wait3A_194 = arith.constant 13824 : i32
    %dma_wait3A_195 = tpu.memref_slice %arg9[%dma_wait3A_194] : memref<41472xi32, #tpu.memory_space<vmem>> -> memref<13824xi32, #tpu.memory_space<vmem>>
    %dma_wait3A_196 = arith.constant 0 : i32
    %dma_wait3A_197 = tpu.memref_slice %arg4[%dma_wait3A_193, %add3A, %dma_wait3A_196] : memref<3x32x13824xi32, #tpu.memory_space<hbm>> -> memref<1x1x13824xi32, #tpu.memory_space<hbm>>
    %dma_wait3A_198 = tpu.memref_squeeze %dma_wait3A_197 : memref<1x1x13824xi32, #tpu.memory_space<hbm>> -> memref<13824xi32, #tpu.memory_space<hbm>>
    %dma_wait3A_199 = arith.constant 13824 : i32
    %dma_wait3A_200 = tpu.memref_slice %arg9[%dma_wait3A_199] : memref<41472xi32, #tpu.memory_space<vmem>> -> memref<13824xi32, #tpu.memory_space<vmem>>
    %dma_wait3A_201 = arith.constant 0 : i32
    %dma_wait3A_202 = tpu.memref_slice %arg4[%dma_wait3A_193, %add3A, %dma_wait3A_201] : memref<3x32x13824xi32, #tpu.memory_space<hbm>> -> memref<1x1x13824xi32, #tpu.memory_space<hbm>>
    %dma_wait3A_203 = tpu.memref_squeeze %dma_wait3A_202 : memref<1x1x13824xi32, #tpu.memory_space<hbm>> -> memref<13824xi32, #tpu.memory_space<hbm>>
    tpu.wait_dma2 semaphore(%arg15 : memref<!tpu.dma_semaphore, #tpu.memory_space<semaphore_mem>>) src(%dma_wait3A_203 : memref<13824xi32, #tpu.memory_space<hbm>>) dst(%dma_wait3A_200 : memref<13824xi32, #tpu.memory_space<vmem>>)
    %dma_wait3A_204 = arith.constant 2 : i32
    %dma_wait3A_205 = arith.constant 27648 : i32
    %dma_wait3A_206 = tpu.memref_slice %arg9[%dma_wait3A_205] : memref<41472xi32, #tpu.memory_space<vmem>> -> memref<13824xi32, #tpu.memory_space<vmem>>
    %dma_wait3A_207 = arith.constant 0 : i32
    %dma_wait3A_208 = tpu.memref_slice %arg4[%dma_wait3A_204, %add3A, %dma_wait3A_207] : memref<3x32x13824xi32, #tpu.memory_space<hbm>> -> memref<1x1x13824xi32, #tpu.memory_space<hbm>>
    %dma_wait3A_209 = tpu.memref_squeeze %dma_wait3A_208 : memref<1x1x13824xi32, #tpu.memory_space<hbm>> -> memref<13824xi32, #tpu.memory_space<hbm>>
    %dma_wait3A_210 = arith.constant 27648 : i32
    %dma_wait3A_211 = tpu.memref_slice %arg9[%dma_wait3A_210] : memref<41472xi32, #tpu.memory_space<vmem>> -> memref<13824xi32, #tpu.memory_space<vmem>>
    %dma_wait3A_212 = arith.constant 0 : i32
    %dma_wait3A_213 = tpu.memref_slice %arg4[%dma_wait3A_204, %add3A, %dma_wait3A_212] : memref<3x32x13824xi32, #tpu.memory_space<hbm>> -> memref<1x1x13824xi32, #tpu.memory_space<hbm>>
    %dma_wait3A_214 = tpu.memref_squeeze %dma_wait3A_213 : memref<1x1x13824xi32, #tpu.memory_space<hbm>> -> memref<13824xi32, #tpu.memory_space<hbm>>
    tpu.wait_dma2 semaphore(%arg15 : memref<!tpu.dma_semaphore, #tpu.memory_space<semaphore_mem>>) src(%dma_wait3A_214 : memref<13824xi32, #tpu.memory_space<hbm>>) dst(%dma_wait3A_211 : memref<13824xi32, #tpu.memory_space<vmem>>)
    %broadcast_in_dim3A_215 = arith.constant 0.000000e+00 : f32
    %broadcast_in_dim3A_216 = vector.broadcast %broadcast_in_dim3A_215 : f32 to vector<16xf32>
    %scan3A_217 = arith.constant 0 : i32
    %scan3A_218 = arith.constant 287 : i32
    %scan3A_219 = arith.addi %scan3A_217, %scan3A_218 : i32
    %scan3A_220 = arith.constant 1 : i32
    %scan3A_221 = scf.for %scan3A_226 = %scan3A_217 to %scan3A_219 step %scan3A_220 iter_args(%scan3A_227 = %broadcast_in_dim3A_216) -> (vector<16xf32>)  : i32 {
      %mul3A_228 = arith.constant 3 : i32
      %mul3A_229 = arith.muli %mul3A_228, %scan3A_226 : i32
      %add3A_230 = arith.constant 2 : i32
      %add3A_231 = arith.addi %mul3A_229, %add3A_230 : i32
      %mul3A_232 = arith.constant 3 : i32
      %mul3A_233 = arith.muli %mul3A_232, %scan3A_226 : i32
      %add3A_234 = arith.constant 1 : i32
      %add3A_235 = arith.addi %mul3A_233, %add3A_234 : i32
      %mul3A_236 = arith.constant 3 : i32
      %mul3A_237 = arith.muli %mul3A_236, %scan3A_226 : i32
      %mul3A_238 = arith.constant 16 : i32
      %mul3A_239 = arith.muli %mul3A_237, %mul3A_238 : i32
      %get3A = arith.index_cast %mul3A_239 : i32 to index
      %get3A_240 = tpu.vector_load %arg9[%get3A] {strides = array<i32>} : memref<41472xi32, #tpu.memory_space<vmem>>, vector<16xi32>,
      %mul3A_241 = arith.constant 16 : i32
      %mul3A_242 = arith.muli %mul3A_237, %mul3A_241 : i32
      %add3A_243 = arith.constant 13824 : i32
      %add3A_244 = arith.addi %add3A_243, %mul3A_242 : i32
      %get3A_245 = arith.index_cast %add3A_244 : i32 to index
      %get3A_246 = tpu.vector_load %arg9[%get3A_245] {strides = array<i32>} : memref<41472xi32, #tpu.memory_space<vmem>>, vector<16xi32>,
      %mul3A_247 = arith.constant 16 : i32
      %mul3A_248 = arith.muli %mul3A_237, %mul3A_247 : i32
      %add3A_249 = arith.constant 27648 : i32
      %add3A_250 = arith.addi %add3A_249, %mul3A_248 : i32
      %get3A_251 = arith.index_cast %add3A_250 : i32 to index
      %get3A_252 = tpu.vector_load %arg9[%get3A_251] {strides = array<i32>} : memref<41472xi32, #tpu.memory_space<vmem>>, vector<16xi32>,
      %gather3A = arith.constant 0 : i32
      %gather3A_253 = tpu.memref_slice %arg7[%gather3A] : memref<20736xf32, #tpu.memory_space<vmem>> -> memref<6912xf32, #tpu.memory_space<vmem>>
      %gather3A_254 = tpu.vector_load_idx %gather3A_253[%get3A_240] : memref<6912xf32, #tpu.memory_space<vmem>>[vector<16xi32>], vector<16xf32>,
      %gather3A_255 = arith.constant 6912 : i32
      %gather3A_256 = tpu.memref_slice %arg7[%gather3A_255] : memref<20736xf32, #tpu.memory_space<vmem>> -> memref<6912xf32, #tpu.memory_space<vmem>>
      %gather3A_257 = tpu.vector_load_idx %gather3A_256[%get3A_240] : memref<6912xf32, #tpu.memory_space<vmem>>[vector<16xi32>], vector<16xf32>,
      %gather3A_258 = arith.constant 13824 : i32
      %gather3A_259 = tpu.memref_slice %arg7[%gather3A_258] : memref<20736xf32, #tpu.memory_space<vmem>> -> memref<6912xf32, #tpu.memory_space<vmem>>
      %gather3A_260 = tpu.vector_load_idx %gather3A_259[%get3A_240] : memref<6912xf32, #tpu.memory_space<vmem>>[vector<16xi32>], vector<16xf32>,
      %gather3A_261 = arith.constant 0 : i32
      %gather3A_262 = tpu.memref_slice %arg7[%gather3A_261] : memref<20736xf32, #tpu.memory_space<vmem>> -> memref<6912xf32, #tpu.memory_space<vmem>>
      %gather3A_263 = tpu.vector_load_idx %gather3A_262[%get3A_246] : memref<6912xf32, #tpu.memory_space<vmem>>[vector<16xi32>], vector<16xf32>,
      %gather3A_264 = arith.constant 6912 : i32
      %gather3A_265 = tpu.memref_slice %arg7[%gather3A_264] : memref<20736xf32, #tpu.memory_space<vmem>> -> memref<6912xf32, #tpu.memory_space<vmem>>
      %gather3A_266 = tpu.vector_load_idx %gather3A_265[%get3A_246] : memref<6912xf32, #tpu.memory_space<vmem>>[vector<16xi32>], vector<16xf32>,
      %gather3A_267 = arith.constant 13824 : i32
      %gather3A_268 = tpu.memref_slice %arg7[%gather3A_267] : memref<20736xf32, #tpu.memory_space<vmem>> -> memref<6912xf32, #tpu.memory_space<vmem>>
      %gather3A_269 = tpu.vector_load_idx %gather3A_268[%get3A_246] : memref<6912xf32, #tpu.memory_space<vmem>>[vector<16xi32>], vector<16xf32>,
      %gather3A_270 = arith.constant 0 : i32
      %gather3A_271 = tpu.memref_slice %arg7[%gather3A_270] : memref<20736xf32, #tpu.memory_space<vmem>> -> memref<6912xf32, #tpu.memory_space<vmem>>
      %gather3A_272 = tpu.vector_load_idx %gather3A_271[%get3A_252] : memref<6912xf32, #tpu.memory_space<vmem>>[vector<16xi32>], vector<16xf32>,
      %gather3A_273 = arith.constant 6912 : i32
      %gather3A_274 = tpu.memref_slice %arg7[%gather3A_273] : memref<20736xf32, #tpu.memory_space<vmem>> -> memref<6912xf32, #tpu.memory_space<vmem>>
      %gather3A_275 = tpu.vector_load_idx %gather3A_274[%get3A_252] : memref<6912xf32, #tpu.memory_space<vmem>>[vector<16xi32>], vector<16xf32>,
      %gather3A_276 = arith.constant 13824 : i32
      %gather3A_277 = tpu.memref_slice %arg7[%gather3A_276] : memref<20736xf32, #tpu.memory_space<vmem>> -> memref<6912xf32, #tpu.memory_space<vmem>>
      %gather3A_278 = tpu.vector_load_idx %gather3A_277[%get3A_252] : memref<6912xf32, #tpu.memory_space<vmem>>[vector<16xi32>], vector<16xf32>,
      %gather3A_279 = arith.constant 0 : i32
      %gather3A_280 = tpu.memref_slice %arg8[%gather3A_279] : memref<20736xf32, #tpu.memory_space<vmem>> -> memref<6912xf32, #tpu.memory_space<vmem>>
      %gather3A_281 = tpu.vector_load_idx %gather3A_280[%get3A_240] : memref<6912xf32, #tpu.memory_space<vmem>>[vector<16xi32>], vector<16xf32>,
      %gather3A_282 = arith.constant 6912 : i32
      %gather3A_283 = tpu.memref_slice %arg8[%gather3A_282] : memref<20736xf32, #tpu.memory_space<vmem>> -> memref<6912xf32, #tpu.memory_space<vmem>>
      %gather3A_284 = tpu.vector_load_idx %gather3A_283[%get3A_240] : memref<6912xf32, #tpu.memory_space<vmem>>[vector<16xi32>], vector<16xf32>,
      %gather3A_285 = arith.constant 13824 : i32
      %gather3A_286 = tpu.memref_slice %arg8[%gather3A_285] : memref<20736xf32, #tpu.memory_space<vmem>> -> memref<6912xf32, #tpu.memory_space<vmem>>
      %gather3A_287 = tpu.vector_load_idx %gather3A_286[%get3A_240] : memref<6912xf32, #tpu.memory_space<vmem>>[vector<16xi32>], vector<16xf32>,
      %gather3A_288 = arith.constant 0 : i32
      %gather3A_289 = tpu.memref_slice %arg8[%gather3A_288] : memref<20736xf32, #tpu.memory_space<vmem>> -> memref<6912xf32, #tpu.memory_space<vmem>>
      %gather3A_290 = tpu.vector_load_idx %gather3A_289[%get3A_246] : memref<6912xf32, #tpu.memory_space<vmem>>[vector<16xi32>], vector<16xf32>,
      %gather3A_291 = arith.constant 6912 : i32
      %gather3A_292 = tpu.memref_slice %arg8[%gather3A_291] : memref<20736xf32, #tpu.memory_space<vmem>> -> memref<6912xf32, #tpu.memory_space<vmem>>
      %gather3A_293 = tpu.vector_load_idx %gather3A_292[%get3A_246] : memref<6912xf32, #tpu.memory_space<vmem>>[vector<16xi32>], vector<16xf32>,
      %gather3A_294 = arith.constant 13824 : i32
      %gather3A_295 = tpu.memref_slice %arg8[%gather3A_294] : memref<20736xf32, #tpu.memory_space<vmem>> -> memref<6912xf32, #tpu.memory_space<vmem>>
      %gather3A_296 = tpu.vector_load_idx %gather3A_295[%get3A_246] : memref<6912xf32, #tpu.memory_space<vmem>>[vector<16xi32>], vector<16xf32>,
      %gather3A_297 = arith.constant 0 : i32
      %gather3A_298 = tpu.memref_slice %arg8[%gather3A_297] : memref<20736xf32, #tpu.memory_space<vmem>> -> memref<6912xf32, #tpu.memory_space<vmem>>
      %gather3A_299 = tpu.vector_load_idx %gather3A_298[%get3A_252] : memref<6912xf32, #tpu.memory_space<vmem>>[vector<16xi32>], vector<16xf32>,
      %gather3A_300 = arith.constant 6912 : i32
      %gather3A_301 = tpu.memref_slice %arg8[%gather3A_300] : memref<20736xf32, #tpu.memory_space<vmem>> -> memref<6912xf32, #tpu.memory_space<vmem>>
      %gather3A_302 = tpu.vector_load_idx %gather3A_301[%get3A_252] : memref<6912xf32, #tpu.memory_space<vmem>>[vector<16xi32>], vector<16xf32>,
      %gather3A_303 = arith.constant 13824 : i32
      %gather3A_304 = tpu.memref_slice %arg8[%gather3A_303] : memref<20736xf32, #tpu.memory_space<vmem>> -> memref<6912xf32, #tpu.memory_space<vmem>>
      %gather3A_305 = tpu.vector_load_idx %gather3A_304[%get3A_252] : memref<6912xf32, #tpu.memory_space<vmem>>[vector<16xi32>], vector<16xf32>,
      %sub3A = arith.subf %gather3A_254, %gather3A_263 : vector<16xf32>
      %sub3A_306 = arith.subf %gather3A_257, %gather3A_266 : vector<16xf32>
      %sub3A_307 = arith.subf %gather3A_260, %gather3A_269 : vector<16xf32>
      %mul3A_308 = arith.mulf %sub3A, %sub3A : vector<16xf32>
      %mul3A_309 = arith.mulf %sub3A_306, %sub3A_306 : vector<16xf32>
      %add3A_310 = arith.addf %mul3A_308, %mul3A_309 : vector<16xf32>
      %mul3A_311 = arith.mulf %sub3A_307, %sub3A_307 : vector<16xf32>
      %add3A_312 = arith.addf %add3A_310, %mul3A_311 : vector<16xf32>
      %sub3A_313 = arith.subf %gather3A_281, %gather3A_290 : vector<16xf32>
      %sub3A_314 = arith.subf %gather3A_284, %gather3A_293 : vector<16xf32>
      %sub3A_315 = arith.subf %gather3A_287, %gather3A_296 : vector<16xf32>
      %mul3A_316 = arith.mulf %sub3A_313, %sub3A_313 : vector<16xf32>
      %mul3A_317 = arith.mulf %sub3A_314, %sub3A_314 : vector<16xf32>
      %add3A_318 = arith.addf %mul3A_316, %mul3A_317 : vector<16xf32>
      %mul3A_319 = arith.mulf %sub3A_315, %sub3A_315 : vector<16xf32>
      %add3A_320 = arith.addf %add3A_318, %mul3A_319 : vector<16xf32>
      %mul3A_321 = arith.mulf %add3A_312, %add3A_320 : vector<16xf32>
      %bitcast_convert_type3A = tpu.bitcast %mul3A_321 : vector<16xf32> -> vector<16xi32>
      %shift_right_logical3A = arith.constant 1 : i32
      %shift_right_logical3A_322 = vector.broadcast %shift_right_logical3A : i32 to vector<16xi32>
      %shift_right_logical3A_323 = arith.shrui %bitcast_convert_type3A, %shift_right_logical3A_322 : vector<16xi32>
      %sub3A_324 = arith.constant 1597463007 : i32
      %sub3A_325 = vector.broadcast %sub3A_324 : i32 to vector<16xi32>
      %sub3A_326 = arith.subi %sub3A_325, %shift_right_logical3A_323 : vector<16xi32>
      %bitcast_convert_type3A_327 = tpu.bitcast %sub3A_326 : vector<16xi32> -> vector<16xf32>
      %mul3A_328 = arith.constant 5.000000e-01 : f32
      %mul3A_329 = vector.broadcast %mul3A_328 : f32 to vector<16xf32>
      %mul3A_330 = arith.mulf %mul3A_329, %mul3A_321 : vector<16xf32>
      %mul3A_331 = arith.mulf %mul3A_330, %bitcast_convert_type3A_327 : vector<16xf32>
      %mul3A_332 = arith.mulf %mul3A_331, %bitcast_convert_type3A_327 : vector<16xf32>
      %sub3A_333 = arith.constant 1.500000e+00 : f32
      %sub3A_334 = vector.broadcast %sub3A_333 : f32 to vector<16xf32>
      %sub3A_335 = arith.subf %sub3A_334, %mul3A_332 : vector<16xf32>
      %mul3A_336 = arith.mulf %bitcast_convert_type3A_327, %sub3A_335 : vector<16xf32>
      %mul3A_337 = arith.mulf %add3A_312, %mul3A_336 : vector<16xf32>
      %eq3A = arith.cmpf oeq, %add3A_312, %add3A_320 : vector<16xf32>
      %sub3A_338 = arith.constant 1.000000e+00 : f32
      %sub3A_339 = vector.broadcast %sub3A_338 : f32 to vector<16xf32>
      %sub3A_340 = arith.subf %mul3A_337, %sub3A_339 : vector<16xf32>
      %abs3A = math.absf %sub3A_340 : vector<16xf32>
      %jit3A = arith.constant 0.000000e+00 : f32
      %broadcast_in_dim3A_341 = vector.broadcast %jit3A : f32 to vector<16xf32>
      %select_n3A = arith.select %eq3A, %broadcast_in_dim3A_341, %abs3A : vector<16xi1>, vector<16xf32>
      %sub3A_342 = arith.subf %gather3A_254, %gather3A_272 : vector<16xf32>
      %sub3A_343 = arith.subf %gather3A_257, %gather3A_275 : vector<16xf32>
      %sub3A_344 = arith.subf %gather3A_260, %gather3A_278 : vector<16xf32>
      %mul3A_345 = arith.mulf %sub3A_342, %sub3A_342 : vector<16xf32>
      %mul3A_346 = arith.mulf %sub3A_343, %sub3A_343 : vector<16xf32>
      %add3A_347 = arith.addf %mul3A_345, %mul3A_346 : vector<16xf32>
      %mul3A_348 = arith.mulf %sub3A_344, %sub3A_344 : vector<16xf32>
      %add3A_349 = arith.addf %add3A_347, %mul3A_348 : vector<16xf32>
      %sub3A_350 = arith.subf %gather3A_281, %gather3A_299 : vector<16xf32>
      %sub3A_351 = arith.subf %gather3A_284, %gather3A_302 : vector<16xf32>
      %sub3A_352 = arith.subf %gather3A_287, %gather3A_305 : vector<16xf32>
      %mul3A_353 = arith.mulf %sub3A_350, %sub3A_350 : vector<16xf32>
      %mul3A_354 = arith.mulf %sub3A_351, %sub3A_351 : vector<16xf32>
      %add3A_355 = arith.addf %mul3A_353, %mul3A_354 : vector<16xf32>
      %mul3A_356 = arith.mulf %sub3A_352, %sub3A_352 : vector<16xf32>
      %add3A_357 = arith.addf %add3A_355, %mul3A_356 : vector<16xf32>
      %mul3A_358 = arith.mulf %add3A_349, %add3A_357 : vector<16xf32>
      %bitcast_convert_type3A_359 = tpu.bitcast %mul3A_358 : vector<16xf32> -> vector<16xi32>
      %shift_right_logical3A_360 = arith.constant 1 : i32
      %shift_right_logical3A_361 = vector.broadcast %shift_right_logical3A_360 : i32 to vector<16xi32>
      %shift_right_logical3A_362 = arith.shrui %bitcast_convert_type3A_359, %shift_right_logical3A_361 : vector<16xi32>
      %sub3A_363 = arith.constant 1597463007 : i32
      %sub3A_364 = vector.broadcast %sub3A_363 : i32 to vector<16xi32>
      %sub3A_365 = arith.subi %sub3A_364, %shift_right_logical3A_362 : vector<16xi32>
      %bitcast_convert_type3A_366 = tpu.bitcast %sub3A_365 : vector<16xi32> -> vector<16xf32>
      %mul3A_367 = arith.constant 5.000000e-01 : f32
      %mul3A_368 = vector.broadcast %mul3A_367 : f32 to vector<16xf32>
      %mul3A_369 = arith.mulf %mul3A_368, %mul3A_358 : vector<16xf32>
      %mul3A_370 = arith.mulf %mul3A_369, %bitcast_convert_type3A_366 : vector<16xf32>
      %mul3A_371 = arith.mulf %mul3A_370, %bitcast_convert_type3A_366 : vector<16xf32>
      %sub3A_372 = arith.constant 1.500000e+00 : f32
      %sub3A_373 = vector.broadcast %sub3A_372 : f32 to vector<16xf32>
      %sub3A_374 = arith.subf %sub3A_373, %mul3A_371 : vector<16xf32>
      %mul3A_375 = arith.mulf %bitcast_convert_type3A_366, %sub3A_374 : vector<16xf32>
      %mul3A_376 = arith.mulf %add3A_349, %mul3A_375 : vector<16xf32>
      %eq3A_377 = arith.cmpf oeq, %add3A_349, %add3A_357 : vector<16xf32>
      %sub3A_378 = arith.constant 1.000000e+00 : f32
      %sub3A_379 = vector.broadcast %sub3A_378 : f32 to vector<16xf32>
      %sub3A_380 = arith.subf %mul3A_376, %sub3A_379 : vector<16xf32>
      %abs3A_381 = math.absf %sub3A_380 : vector<16xf32>
      %jit3A_382 = arith.constant 0.000000e+00 : f32
      %broadcast_in_dim3A_383 = vector.broadcast %jit3A_382 : f32 to vector<16xf32>
      %select_n3A_384 = arith.select %eq3A_377, %broadcast_in_dim3A_383, %abs3A_381 : vector<16xi1>, vector<16xf32>
      %add3A_385 = arith.addf %select_n3A, %select_n3A_384 : vector<16xf32>
      %sub3A_386 = arith.subf %gather3A_263, %gather3A_272 : vector<16xf32>
      %sub3A_387 = arith.subf %gather3A_266, %gather3A_275 : vector<16xf32>
      %sub3A_388 = arith.subf %gather3A_269, %gather3A_278 : vector<16xf32>
      %mul3A_389 = arith.mulf %sub3A_386, %sub3A_386 : vector<16xf32>
      %mul3A_390 = arith.mulf %sub3A_387, %sub3A_387 : vector<16xf32>
      %add3A_391 = arith.addf %mul3A_389, %mul3A_390 : vector<16xf32>
      %mul3A_392 = arith.mulf %sub3A_388, %sub3A_388 : vector<16xf32>
      %add3A_393 = arith.addf %add3A_391, %mul3A_392 : vector<16xf32>
      %sub3A_394 = arith.subf %gather3A_290, %gather3A_299 : vector<16xf32>
      %sub3A_395 = arith.subf %gather3A_293, %gather3A_302 : vector<16xf32>
      %sub3A_396 = arith.subf %gather3A_296, %gather3A_305 : vector<16xf32>
      %mul3A_397 = arith.mulf %sub3A_394, %sub3A_394 : vector<16xf32>
      %mul3A_398 = arith.mulf %sub3A_395, %sub3A_395 : vector<16xf32>
      %add3A_399 = arith.addf %mul3A_397, %mul3A_398 : vector<16xf32>
      %mul3A_400 = arith.mulf %sub3A_396, %sub3A_396 : vector<16xf32>
      %add3A_401 = arith.addf %add3A_399, %mul3A_400 : vector<16xf32>
      %mul3A_402 = arith.mulf %add3A_393, %add3A_401 : vector<16xf32>
      %bitcast_convert_type3A_403 = tpu.bitcast %mul3A_402 : vector<16xf32> -> vector<16xi32>
      %shift_right_logical3A_404 = arith.constant 1 : i32
      %shift_right_logical3A_405 = vector.broadcast %shift_right_logical3A_404 : i32 to vector<16xi32>
      %shift_right_logical3A_406 = arith.shrui %bitcast_convert_type3A_403, %shift_right_logical3A_405 : vector<16xi32>
      %sub3A_407 = arith.constant 1597463007 : i32
      %sub3A_408 = vector.broadcast %sub3A_407 : i32 to vector<16xi32>
      %sub3A_409 = arith.subi %sub3A_408, %shift_right_logical3A_406 : vector<16xi32>
      %bitcast_convert_type3A_410 = tpu.bitcast %sub3A_409 : vector<16xi32> -> vector<16xf32>
      %mul3A_411 = arith.constant 5.000000e-01 : f32
      %mul3A_412 = vector.broadcast %mul3A_411 : f32 to vector<16xf32>
      %mul3A_413 = arith.mulf %mul3A_412, %mul3A_402 : vector<16xf32>
      %mul3A_414 = arith.mulf %mul3A_413, %bitcast_convert_type3A_410 : vector<16xf32>
      %mul3A_415 = arith.mulf %mul3A_414, %bitcast_convert_type3A_410 : vector<16xf32>
      %sub3A_416 = arith.constant 1.500000e+00 : f32
      %sub3A_417 = vector.broadcast %sub3A_416 : f32 to vector<16xf32>
      %sub3A_418 = arith.subf %sub3A_417, %mul3A_415 : vector<16xf32>
      %mul3A_419 = arith.mulf %bitcast_convert_type3A_410, %sub3A_418 : vector<16xf32>
      %mul3A_420 = arith.mulf %add3A_393, %mul3A_419 : vector<16xf32>
      %eq3A_421 = arith.cmpf oeq, %add3A_393, %add3A_401 : vector<16xf32>
      %sub3A_422 = arith.constant 1.000000e+00 : f32
      %sub3A_423 = vector.broadcast %sub3A_422 : f32 to vector<16xf32>
      %sub3A_424 = arith.subf %mul3A_420, %sub3A_423 : vector<16xf32>
      %abs3A_425 = math.absf %sub3A_424 : vector<16xf32>
      %jit3A_426 = arith.constant 0.000000e+00 : f32
      %broadcast_in_dim3A_427 = vector.broadcast %jit3A_426 : f32 to vector<16xf32>
      %select_n3A_428 = arith.select %eq3A_421, %broadcast_in_dim3A_427, %abs3A_425 : vector<16xi1>, vector<16xf32>
      %add3A_429 = arith.addf %add3A_385, %select_n3A_428 : vector<16xf32>
      %add3A_430 = arith.addf %scan3A_227, %add3A_429 : vector<16xf32>
      %mul3A_431 = arith.constant 16 : i32
      %mul3A_432 = arith.muli %add3A_235, %mul3A_431 : i32
      %get3A_433 = arith.index_cast %mul3A_432 : i32 to index
      %get3A_434 = tpu.vector_load %arg9[%get3A_433] {strides = array<i32>} : memref<41472xi32, #tpu.memory_space<vmem>>, vector<16xi32>,
      %mul3A_435 = arith.constant 16 : i32
      %mul3A_436 = arith.muli %add3A_235, %mul3A_435 : i32
      %add3A_437 = arith.constant 13824 : i32
      %add3A_438 = arith.addi %add3A_437, %mul3A_436 : i32
      %get3A_439 = arith.index_cast %add3A_438 : i32 to index
      %get3A_440 = tpu.vector_load %arg9[%get3A_439] {strides = array<i32>} : memref<41472xi32, #tpu.memory_space<vmem>>, vector<16xi32>,
      %mul3A_441 = arith.constant 16 : i32
      %mul3A_442 = arith.muli %add3A_235, %mul3A_441 : i32
      %add3A_443 = arith.constant 27648 : i32
      %add3A_444 = arith.addi %add3A_443, %mul3A_442 : i32
      %get3A_445 = arith.index_cast %add3A_444 : i32 to index
      %get3A_446 = tpu.vector_load %arg9[%get3A_445] {strides = array<i32>} : memref<41472xi32, #tpu.memory_space<vmem>>, vector<16xi32>,
      %gather3A_447 = arith.constant 0 : i32
      %gather3A_448 = tpu.memref_slice %arg7[%gather3A_447] : memref<20736xf32, #tpu.memory_space<vmem>> -> memref<6912xf32, #tpu.memory_space<vmem>>
      %gather3A_449 = tpu.vector_load_idx %gather3A_448[%get3A_434] : memref<6912xf32, #tpu.memory_space<vmem>>[vector<16xi32>], vector<16xf32>,
      %gather3A_450 = arith.constant 6912 : i32
      %gather3A_451 = tpu.memref_slice %arg7[%gather3A_450] : memref<20736xf32, #tpu.memory_space<vmem>> -> memref<6912xf32, #tpu.memory_space<vmem>>
      %gather3A_452 = tpu.vector_load_idx %gather3A_451[%get3A_434] : memref<6912xf32, #tpu.memory_space<vmem>>[vector<16xi32>], vector<16xf32>,
      %gather3A_453 = arith.constant 13824 : i32
      %gather3A_454 = tpu.memref_slice %arg7[%gather3A_453] : memref<20736xf32, #tpu.memory_space<vmem>> -> memref<6912xf32, #tpu.memory_space<vmem>>
      %gather3A_455 = tpu.vector_load_idx %gather3A_454[%get3A_434] : memref<6912xf32, #tpu.memory_space<vmem>>[vector<16xi32>], vector<16xf32>,
      %gather3A_456 = arith.constant 0 : i32
      %gather3A_457 = tpu.memref_slice %arg7[%gather3A_456] : memref<20736xf32, #tpu.memory_space<vmem>> -> memref<6912xf32, #tpu.memory_space<vmem>>
      %gather3A_458 = tpu.vector_load_idx %gather3A_457[%get3A_440] : memref<6912xf32, #tpu.memory_space<vmem>>[vector<16xi32>], vector<16xf32>,
      %gather3A_459 = arith.constant 6912 : i32
      %gather3A_460 = tpu.memref_slice %arg7[%gather3A_459] : memref<20736xf32, #tpu.memory_space<vmem>> -> memref<6912xf32, #tpu.memory_space<vmem>>
      %gather3A_461 = tpu.vector_load_idx %gather3A_460[%get3A_440] : memref<6912xf32, #tpu.memory_space<vmem>>[vector<16xi32>], vector<16xf32>,
      %gather3A_462 = arith.constant 13824 : i32
      %gather3A_463 = tpu.memref_slice %arg7[%gather3A_462] : memref<20736xf32, #tpu.memory_space<vmem>> -> memref<6912xf32, #tpu.memory_space<vmem>>
      %gather3A_464 = tpu.vector_load_idx %gather3A_463[%get3A_440] : memref<6912xf32, #tpu.memory_space<vmem>>[vector<16xi32>], vector<16xf32>,
      %gather3A_465 = arith.constant 0 : i32
      %gather3A_466 = tpu.memref_slice %arg7[%gather3A_465] : memref<20736xf32, #tpu.memory_space<vmem>> -> memref<6912xf32, #tpu.memory_space<vmem>>
      %gather3A_467 = tpu.vector_load_idx %gather3A_466[%get3A_446] : memref<6912xf32, #tpu.memory_space<vmem>>[vector<16xi32>], vector<16xf32>,
      %gather3A_468 = arith.constant 6912 : i32
      %gather3A_469 = tpu.memref_slice %arg7[%gather3A_468] : memref<20736xf32, #tpu.memory_space<vmem>> -> memref<6912xf32, #tpu.memory_space<vmem>>
      %gather3A_470 = tpu.vector_load_idx %gather3A_469[%get3A_446] : memref<6912xf32, #tpu.memory_space<vmem>>[vector<16xi32>], vector<16xf32>,
      %gather3A_471 = arith.constant 13824 : i32
      %gather3A_472 = tpu.memref_slice %arg7[%gather3A_471] : memref<20736xf32, #tpu.memory_space<vmem>> -> memref<6912xf32, #tpu.memory_space<vmem>>
      %gather3A_473 = tpu.vector_load_idx %gather3A_472[%get3A_446] : memref<6912xf32, #tpu.memory_space<vmem>>[vector<16xi32>], vector<16xf32>,
      %gather3A_474 = arith.constant 0 : i32
      %gather3A_475 = tpu.memref_slice %arg8[%gather3A_474] : memref<20736xf32, #tpu.memory_space<vmem>> -> memref<6912xf32, #tpu.memory_space<vmem>>
      %gather3A_476 = tpu.vector_load_idx %gather3A_475[%get3A_434] : memref<6912xf32, #tpu.memory_space<vmem>>[vector<16xi32>], vector<16xf32>,
      %gather3A_477 = arith.constant 6912 : i32
      %gather3A_478 = tpu.memref_slice %arg8[%gather3A_477] : memref<20736xf32, #tpu.memory_space<vmem>> -> memref<6912xf32, #tpu.memory_space<vmem>>
      %gather3A_479 = tpu.vector_load_idx %gather3A_478[%get3A_434] : memref<6912xf32, #tpu.memory_space<vmem>>[vector<16xi32>], vector<16xf32>,
      %gather3A_480 = arith.constant 13824 : i32
      %gather3A_481 = tpu.memref_slice %arg8[%gather3A_480] : memref<20736xf32, #tpu.memory_space<vmem>> -> memref<6912xf32, #tpu.memory_space<vmem>>
      %gather3A_482 = tpu.vector_load_idx %gather3A_481[%get3A_434] : memref<6912xf32, #tpu.memory_space<vmem>>[vector<16xi32>], vector<16xf32>,
      %gather3A_483 = arith.constant 0 : i32
      %gather3A_484 = tpu.memref_slice %arg8[%gather3A_483] : memref<20736xf32, #tpu.memory_space<vmem>> -> memref<6912xf32, #tpu.memory_space<vmem>>
      %gather3A_485 = tpu.vector_load_idx %gather3A_484[%get3A_440] : memref<6912xf32, #tpu.memory_space<vmem>>[vector<16xi32>], vector<16xf32>,
      %gather3A_486 = arith.constant 6912 : i32
      %gather3A_487 = tpu.memref_slice %arg8[%gather3A_486] : memref<20736xf32, #tpu.memory_space<vmem>> -> memref<6912xf32, #tpu.memory_space<vmem>>
      %gather3A_488 = tpu.vector_load_idx %gather3A_487[%get3A_440] : memref<6912xf32, #tpu.memory_space<vmem>>[vector<16xi32>], vector<16xf32>,
      %gather3A_489 = arith.constant 13824 : i32
      %gather3A_490 = tpu.memref_slice %arg8[%gather3A_489] : memref<20736xf32, #tpu.memory_space<vmem>> -> memref<6912xf32, #tpu.memory_space<vmem>>
      %gather3A_491 = tpu.vector_load_idx %gather3A_490[%get3A_440] : memref<6912xf32, #tpu.memory_space<vmem>>[vector<16xi32>], vector<16xf32>,
      %gather3A_492 = arith.constant 0 : i32
      %gather3A_493 = tpu.memref_slice %arg8[%gather3A_492] : memref<20736xf32, #tpu.memory_space<vmem>> -> memref<6912xf32, #tpu.memory_space<vmem>>
      %gather3A_494 = tpu.vector_load_idx %gather3A_493[%get3A_446] : memref<6912xf32, #tpu.memory_space<vmem>>[vector<16xi32>], vector<16xf32>,
      %gather3A_495 = arith.constant 6912 : i32
      %gather3A_496 = tpu.memref_slice %arg8[%gather3A_495] : memref<20736xf32, #tpu.memory_space<vmem>> -> memref<6912xf32, #tpu.memory_space<vmem>>
      %gather3A_497 = tpu.vector_load_idx %gather3A_496[%get3A_446] : memref<6912xf32, #tpu.memory_space<vmem>>[vector<16xi32>], vector<16xf32>,
      %gather3A_498 = arith.constant 13824 : i32
      %gather3A_499 = tpu.memref_slice %arg8[%gather3A_498] : memref<20736xf32, #tpu.memory_space<vmem>> -> memref<6912xf32, #tpu.memory_space<vmem>>
      %gather3A_500 = tpu.vector_load_idx %gather3A_499[%get3A_446] : memref<6912xf32, #tpu.memory_space<vmem>>[vector<16xi32>], vector<16xf32>,
      %sub3A_501 = arith.subf %gather3A_449, %gather3A_458 : vector<16xf32>
      %sub3A_502 = arith.subf %gather3A_452, %gather3A_461 : vector<16xf32>
      %sub3A_503 = arith.subf %gather3A_455, %gather3A_464 : vector<16xf32>
      %mul3A_504 = arith.mulf %sub3A_501, %sub3A_501 : vector<16xf32>
      %mul3A_505 = arith.mulf %sub3A_502, %sub3A_502 : vector<16xf32>
      %add3A_506 = arith.addf %mul3A_504, %mul3A_505 : vector<16xf32>
      %mul3A_507 = arith.mulf %sub3A_503, %sub3A_503 : vector<16xf32>
      %add3A_508 = arith.addf %add3A_506, %mul3A_507 : vector<16xf32>
      %sub3A_509 = arith.subf %gather3A_476, %gather3A_485 : vector<16xf32>
      %sub3A_510 = arith.subf %gather3A_479, %gather3A_488 : vector<16xf32>
      %sub3A_511 = arith.subf %gather3A_482, %gather3A_491 : vector<16xf32>
      %mul3A_512 = arith.mulf %sub3A_509, %sub3A_509 : vector<16xf32>
      %mul3A_513 = arith.mulf %sub3A_510, %sub3A_510 : vector<16xf32>
      %add3A_514 = arith.addf %mul3A_512, %mul3A_513 : vector<16xf32>
      %mul3A_515 = arith.mulf %sub3A_511, %sub3A_511 : vector<16xf32>
      %add3A_516 = arith.addf %add3A_514, %mul3A_515 : vector<16xf32>
      %mul3A_517 = arith.mulf %add3A_508, %add3A_516 : vector<16xf32>
      %bitcast_convert_type3A_518 = tpu.bitcast %mul3A_517 : vector<16xf32> -> vector<16xi32>
      %shift_right_logical3A_519 = arith.constant 1 : i32
      %shift_right_logical3A_520 = vector.broadcast %shift_right_logical3A_519 : i32 to vector<16xi32>
      %shift_right_logical3A_521 = arith.shrui %bitcast_convert_type3A_518, %shift_right_logical3A_520 : vector<16xi32>
      %sub3A_522 = arith.constant 1597463007 : i32
      %sub3A_523 = vector.broadcast %sub3A_522 : i32 to vector<16xi32>
      %sub3A_524 = arith.subi %sub3A_523, %shift_right_logical3A_521 : vector<16xi32>
      %bitcast_convert_type3A_525 = tpu.bitcast %sub3A_524 : vector<16xi32> -> vector<16xf32>
      %mul3A_526 = arith.constant 5.000000e-01 : f32
      %mul3A_527 = vector.broadcast %mul3A_526 : f32 to vector<16xf32>
      %mul3A_528 = arith.mulf %mul3A_527, %mul3A_517 : vector<16xf32>
      %mul3A_529 = arith.mulf %mul3A_528, %bitcast_convert_type3A_525 : vector<16xf32>
      %mul3A_530 = arith.mulf %mul3A_529, %bitcast_convert_type3A_525 : vector<16xf32>
      %sub3A_531 = arith.constant 1.500000e+00 : f32
      %sub3A_532 = vector.broadcast %sub3A_531 : f32 to vector<16xf32>
      %sub3A_533 = arith.subf %sub3A_532, %mul3A_530 : vector<16xf32>
      %mul3A_534 = arith.mulf %bitcast_convert_type3A_525, %sub3A_533 : vector<16xf32>
      %mul3A_535 = arith.mulf %add3A_508, %mul3A_534 : vector<16xf32>
      %eq3A_536 = arith.cmpf oeq, %add3A_508, %add3A_516 : vector<16xf32>
      %sub3A_537 = arith.constant 1.000000e+00 : f32
      %sub3A_538 = vector.broadcast %sub3A_537 : f32 to vector<16xf32>
      %sub3A_539 = arith.subf %mul3A_535, %sub3A_538 : vector<16xf32>
      %abs3A_540 = math.absf %sub3A_539 : vector<16xf32>
      %jit3A_541 = arith.constant 0.000000e+00 : f32
      %broadcast_in_dim3A_542 = vector.broadcast %jit3A_541 : f32 to vector<16xf32>
      %select_n3A_543 = arith.select %eq3A_536, %broadcast_in_dim3A_542, %abs3A_540 : vector<16xi1>, vector<16xf32>
      %sub3A_544 = arith.subf %gather3A_449, %gather3A_467 : vector<16xf32>
      %sub3A_545 = arith.subf %gather3A_452, %gather3A_470 : vector<16xf32>
      %sub3A_546 = arith.subf %gather3A_455, %gather3A_473 : vector<16xf32>
      %mul3A_547 = arith.mulf %sub3A_544, %sub3A_544 : vector<16xf32>
      %mul3A_548 = arith.mulf %sub3A_545, %sub3A_545 : vector<16xf32>
      %add3A_549 = arith.addf %mul3A_547, %mul3A_548 : vector<16xf32>
      %mul3A_550 = arith.mulf %sub3A_546, %sub3A_546 : vector<16xf32>
      %add3A_551 = arith.addf %add3A_549, %mul3A_550 : vector<16xf32>
      %sub3A_552 = arith.subf %gather3A_476, %gather3A_494 : vector<16xf32>
      %sub3A_553 = arith.subf %gather3A_479, %gather3A_497 : vector<16xf32>
      %sub3A_554 = arith.subf %gather3A_482, %gather3A_500 : vector<16xf32>
      %mul3A_555 = arith.mulf %sub3A_552, %sub3A_552 : vector<16xf32>
      %mul3A_556 = arith.mulf %sub3A_553, %sub3A_553 : vector<16xf32>
      %add3A_557 = arith.addf %mul3A_555, %mul3A_556 : vector<16xf32>
      %mul3A_558 = arith.mulf %sub3A_554, %sub3A_554 : vector<16xf32>
      %add3A_559 = arith.addf %add3A_557, %mul3A_558 : vector<16xf32>
      %mul3A_560 = arith.mulf %add3A_551, %add3A_559 : vector<16xf32>
      %bitcast_convert_type3A_561 = tpu.bitcast %mul3A_560 : vector<16xf32> -> vector<16xi32>
      %shift_right_logical3A_562 = arith.constant 1 : i32
      %shift_right_logical3A_563 = vector.broadcast %shift_right_logical3A_562 : i32 to vector<16xi32>
      %shift_right_logical3A_564 = arith.shrui %bitcast_convert_type3A_561, %shift_right_logical3A_563 : vector<16xi32>
      %sub3A_565 = arith.constant 1597463007 : i32
      %sub3A_566 = vector.broadcast %sub3A_565 : i32 to vector<16xi32>
      %sub3A_567 = arith.subi %sub3A_566, %shift_right_logical3A_564 : vector<16xi32>
      %bitcast_convert_type3A_568 = tpu.bitcast %sub3A_567 : vector<16xi32> -> vector<16xf32>
      %mul3A_569 = arith.constant 5.000000e-01 : f32
      %mul3A_570 = vector.broadcast %mul3A_569 : f32 to vector<16xf32>
      %mul3A_571 = arith.mulf %mul3A_570, %mul3A_560 : vector<16xf32>
      %mul3A_572 = arith.mulf %mul3A_571, %bitcast_convert_type3A_568 : vector<16xf32>
      %mul3A_573 = arith.mulf %mul3A_572, %bitcast_convert_type3A_568 : vector<16xf32>
      %sub3A_574 = arith.constant 1.500000e+00 : f32
      %sub3A_575 = vector.broadcast %sub3A_574 : f32 to vector<16xf32>
      %sub3A_576 = arith.subf %sub3A_575, %mul3A_573 : vector<16xf32>
      %mul3A_577 = arith.mulf %bitcast_convert_type3A_568, %sub3A_576 : vector<16xf32>
      %mul3A_578 = arith.mulf %add3A_551, %mul3A_577 : vector<16xf32>
      %eq3A_579 = arith.cmpf oeq, %add3A_551, %add3A_559 : vector<16xf32>
      %sub3A_580 = arith.constant 1.000000e+00 : f32
      %sub3A_581 = vector.broadcast %sub3A_580 : f32 to vector<16xf32>
      %sub3A_582 = arith.subf %mul3A_578, %sub3A_581 : vector<16xf32>
      %abs3A_583 = math.absf %sub3A_582 : vector<16xf32>
      %jit3A_584 = arith.constant 0.000000e+00 : f32
      %broadcast_in_dim3A_585 = vector.broadcast %jit3A_584 : f32 to vector<16xf32>
      %select_n3A_586 = arith.select %eq3A_579, %broadcast_in_dim3A_585, %abs3A_583 : vector<16xi1>, vector<16xf32>
      %add3A_587 = arith.addf %select_n3A_543, %select_n3A_586 : vector<16xf32>
      %sub3A_588 = arith.subf %gather3A_458, %gather3A_467 : vector<16xf32>
      %sub3A_589 = arith.subf %gather3A_461, %gather3A_470 : vector<16xf32>
      %sub3A_590 = arith.subf %gather3A_464, %gather3A_473 : vector<16xf32>
      %mul3A_591 = arith.mulf %sub3A_588, %sub3A_588 : vector<16xf32>
      %mul3A_592 = arith.mulf %sub3A_589, %sub3A_589 : vector<16xf32>
      %add3A_593 = arith.addf %mul3A_591, %mul3A_592 : vector<16xf32>
      %mul3A_594 = arith.mulf %sub3A_590, %sub3A_590 : vector<16xf32>
      %add3A_595 = arith.addf %add3A_593, %mul3A_594 : vector<16xf32>
      %sub3A_596 = arith.subf %gather3A_485, %gather3A_494 : vector<16xf32>
      %sub3A_597 = arith.subf %gather3A_488, %gather3A_497 : vector<16xf32>
      %sub3A_598 = arith.subf %gather3A_491, %gather3A_500 : vector<16xf32>
      %mul3A_599 = arith.mulf %sub3A_596, %sub3A_596 : vector<16xf32>
      %mul3A_600 = arith.mulf %sub3A_597, %sub3A_597 : vector<16xf32>
      %add3A_601 = arith.addf %mul3A_599, %mul3A_600 : vector<16xf32>
      %mul3A_602 = arith.mulf %sub3A_598, %sub3A_598 : vector<16xf32>
      %add3A_603 = arith.addf %add3A_601, %mul3A_602 : vector<16xf32>
      %mul3A_604 = arith.mulf %add3A_595, %add3A_603 : vector<16xf32>
      %bitcast_convert_type3A_605 = tpu.bitcast %mul3A_604 : vector<16xf32> -> vector<16xi32>
      %shift_right_logical3A_606 = arith.constant 1 : i32
      %shift_right_logical3A_607 = vector.broadcast %shift_right_logical3A_606 : i32 to vector<16xi32>
      %shift_right_logical3A_608 = arith.shrui %bitcast_convert_type3A_605, %shift_right_logical3A_607 : vector<16xi32>
      %sub3A_609 = arith.constant 1597463007 : i32
      %sub3A_610 = vector.broadcast %sub3A_609 : i32 to vector<16xi32>
      %sub3A_611 = arith.subi %sub3A_610, %shift_right_logical3A_608 : vector<16xi32>
      %bitcast_convert_type3A_612 = tpu.bitcast %sub3A_611 : vector<16xi32> -> vector<16xf32>
      %mul3A_613 = arith.constant 5.000000e-01 : f32
      %mul3A_614 = vector.broadcast %mul3A_613 : f32 to vector<16xf32>
      %mul3A_615 = arith.mulf %mul3A_614, %mul3A_604 : vector<16xf32>
      %mul3A_616 = arith.mulf %mul3A_615, %bitcast_convert_type3A_612 : vector<16xf32>
      %mul3A_617 = arith.mulf %mul3A_616, %bitcast_convert_type3A_612 : vector<16xf32>
      %sub3A_618 = arith.constant 1.500000e+00 : f32
      %sub3A_619 = vector.broadcast %sub3A_618 : f32 to vector<16xf32>
      %sub3A_620 = arith.subf %sub3A_619, %mul3A_617 : vector<16xf32>
      %mul3A_621 = arith.mulf %bitcast_convert_type3A_612, %sub3A_620 : vector<16xf32>
      %mul3A_622 = arith.mulf %add3A_595, %mul3A_621 : vector<16xf32>
      %eq3A_623 = arith.cmpf oeq, %add3A_595, %add3A_603 : vector<16xf32>
      %sub3A_624 = arith.constant 1.000000e+00 : f32
      %sub3A_625 = vector.broadcast %sub3A_624 : f32 to vector<16xf32>
      %sub3A_626 = arith.subf %mul3A_622, %sub3A_625 : vector<16xf32>
      %abs3A_627 = math.absf %sub3A_626 : vector<16xf32>
      %jit3A_628 = arith.constant 0.000000e+00 : f32
      %broadcast_in_dim3A_629 = vector.broadcast %jit3A_628 : f32 to vector<16xf32>
      %select_n3A_630 = arith.select %eq3A_623, %broadcast_in_dim3A_629, %abs3A_627 : vector<16xi1>, vector<16xf32>
      %add3A_631 = arith.addf %add3A_587, %select_n3A_630 : vector<16xf32>
      %add3A_632 = arith.addf %add3A_430, %add3A_631 : vector<16xf32>
      %mul3A_633 = arith.constant 16 : i32
      %mul3A_634 = arith.muli %add3A_231, %mul3A_633 : i32
      %get3A_635 = arith.index_cast %mul3A_634 : i32 to index
      %get3A_636 = tpu.vector_load %arg9[%get3A_635] {strides = array<i32>} : memref<41472xi32, #tpu.memory_space<vmem>>, vector<16xi32>,
      %mul3A_637 = arith.constant 16 : i32
      %mul3A_638 = arith.muli %add3A_231, %mul3A_637 : i32
      %add3A_639 = arith.constant 13824 : i32
      %add3A_640 = arith.addi %add3A_639, %mul3A_638 : i32
      %get3A_641 = arith.index_cast %add3A_640 : i32 to index
      %get3A_642 = tpu.vector_load %arg9[%get3A_641] {strides = array<i32>} : memref<41472xi32, #tpu.memory_space<vmem>>, vector<16xi32>,
      %mul3A_643 = arith.constant 16 : i32
      %mul3A_644 = arith.muli %add3A_231, %mul3A_643 : i32
      %add3A_645 = arith.constant 27648 : i32
      %add3A_646 = arith.addi %add3A_645, %mul3A_644 : i32
      %get3A_647 = arith.index_cast %add3A_646 : i32 to index
      %get3A_648 = tpu.vector_load %arg9[%get3A_647] {strides = array<i32>} : memref<41472xi32, #tpu.memory_space<vmem>>, vector<16xi32>,
      %gather3A_649 = arith.constant 0 : i32
      %gather3A_650 = tpu.memref_slice %arg7[%gather3A_649] : memref<20736xf32, #tpu.memory_space<vmem>> -> memref<6912xf32, #tpu.memory_space<vmem>>
      %gather3A_651 = tpu.vector_load_idx %gather3A_650[%get3A_636] : memref<6912xf32, #tpu.memory_space<vmem>>[vector<16xi32>], vector<16xf32>,
      %gather3A_652 = arith.constant 6912 : i32
      %gather3A_653 = tpu.memref_slice %arg7[%gather3A_652] : memref<20736xf32, #tpu.memory_space<vmem>> -> memref<6912xf32, #tpu.memory_space<vmem>>
      %gather3A_654 = tpu.vector_load_idx %gather3A_653[%get3A_636] : memref<6912xf32, #tpu.memory_space<vmem>>[vector<16xi32>], vector<16xf32>,
      %gather3A_655 = arith.constant 13824 : i32
      %gather3A_656 = tpu.memref_slice %arg7[%gather3A_655] : memref<20736xf32, #tpu.memory_space<vmem>> -> memref<6912xf32, #tpu.memory_space<vmem>>
      %gather3A_657 = tpu.vector_load_idx %gather3A_656[%get3A_636] : memref<6912xf32, #tpu.memory_space<vmem>>[vector<16xi32>], vector<16xf32>,
      %gather3A_658 = arith.constant 0 : i32
      %gather3A_659 = tpu.memref_slice %arg7[%gather3A_658] : memref<20736xf32, #tpu.memory_space<vmem>> -> memref<6912xf32, #tpu.memory_space<vmem>>
      %gather3A_660 = tpu.vector_load_idx %gather3A_659[%get3A_642] : memref<6912xf32, #tpu.memory_space<vmem>>[vector<16xi32>], vector<16xf32>,
      %gather3A_661 = arith.constant 6912 : i32
      %gather3A_662 = tpu.memref_slice %arg7[%gather3A_661] : memref<20736xf32, #tpu.memory_space<vmem>> -> memref<6912xf32, #tpu.memory_space<vmem>>
      %gather3A_663 = tpu.vector_load_idx %gather3A_662[%get3A_642] : memref<6912xf32, #tpu.memory_space<vmem>>[vector<16xi32>], vector<16xf32>,
      %gather3A_664 = arith.constant 13824 : i32
      %gather3A_665 = tpu.memref_slice %arg7[%gather3A_664] : memref<20736xf32, #tpu.memory_space<vmem>> -> memref<6912xf32, #tpu.memory_space<vmem>>
      %gather3A_666 = tpu.vector_load_idx %gather3A_665[%get3A_642] : memref<6912xf32, #tpu.memory_space<vmem>>[vector<16xi32>], vector<16xf32>,
      %gather3A_667 = arith.constant 0 : i32
      %gather3A_668 = tpu.memref_slice %arg7[%gather3A_667] : memref<20736xf32, #tpu.memory_space<vmem>> -> memref<6912xf32, #tpu.memory_space<vmem>>
      %gather3A_669 = tpu.vector_load_idx %gather3A_668[%get3A_648] : memref<6912xf32, #tpu.memory_space<vmem>>[vector<16xi32>], vector<16xf32>,
      %gather3A_670 = arith.constant 6912 : i32
      %gather3A_671 = tpu.memref_slice %arg7[%gather3A_670] : memref<20736xf32, #tpu.memory_space<vmem>> -> memref<6912xf32, #tpu.memory_space<vmem>>
      %gather3A_672 = tpu.vector_load_idx %gather3A_671[%get3A_648] : memref<6912xf32, #tpu.memory_space<vmem>>[vector<16xi32>], vector<16xf32>,
      %gather3A_673 = arith.constant 13824 : i32
      %gather3A_674 = tpu.memref_slice %arg7[%gather3A_673] : memref<20736xf32, #tpu.memory_space<vmem>> -> memref<6912xf32, #tpu.memory_space<vmem>>
      %gather3A_675 = tpu.vector_load_idx %gather3A_674[%get3A_648] : memref<6912xf32, #tpu.memory_space<vmem>>[vector<16xi32>], vector<16xf32>,
      %gather3A_676 = arith.constant 0 : i32
      %gather3A_677 = tpu.memref_slice %arg8[%gather3A_676] : memref<20736xf32, #tpu.memory_space<vmem>> -> memref<6912xf32, #tpu.memory_space<vmem>>
      %gather3A_678 = tpu.vector_load_idx %gather3A_677[%get3A_636] : memref<6912xf32, #tpu.memory_space<vmem>>[vector<16xi32>], vector<16xf32>,
      %gather3A_679 = arith.constant 6912 : i32
      %gather3A_680 = tpu.memref_slice %arg8[%gather3A_679] : memref<20736xf32, #tpu.memory_space<vmem>> -> memref<6912xf32, #tpu.memory_space<vmem>>
      %gather3A_681 = tpu.vector_load_idx %gather3A_680[%get3A_636] : memref<6912xf32, #tpu.memory_space<vmem>>[vector<16xi32>], vector<16xf32>,
      %gather3A_682 = arith.constant 13824 : i32
      %gather3A_683 = tpu.memref_slice %arg8[%gather3A_682] : memref<20736xf32, #tpu.memory_space<vmem>> -> memref<6912xf32, #tpu.memory_space<vmem>>
      %gather3A_684 = tpu.vector_load_idx %gather3A_683[%get3A_636] : memref<6912xf32, #tpu.memory_space<vmem>>[vector<16xi32>], vector<16xf32>,
      %gather3A_685 = arith.constant 0 : i32
      %gather3A_686 = tpu.memref_slice %arg8[%gather3A_685] : memref<20736xf32, #tpu.memory_space<vmem>> -> memref<6912xf32, #tpu.memory_space<vmem>>
      %gather3A_687 = tpu.vector_load_idx %gather3A_686[%get3A_642] : memref<6912xf32, #tpu.memory_space<vmem>>[vector<16xi32>], vector<16xf32>,
      %gather3A_688 = arith.constant 6912 : i32
      %gather3A_689 = tpu.memref_slice %arg8[%gather3A_688] : memref<20736xf32, #tpu.memory_space<vmem>> -> memref<6912xf32, #tpu.memory_space<vmem>>
      %gather3A_690 = tpu.vector_load_idx %gather3A_689[%get3A_642] : memref<6912xf32, #tpu.memory_space<vmem>>[vector<16xi32>], vector<16xf32>,
      %gather3A_691 = arith.constant 13824 : i32
      %gather3A_692 = tpu.memref_slice %arg8[%gather3A_691] : memref<20736xf32, #tpu.memory_space<vmem>> -> memref<6912xf32, #tpu.memory_space<vmem>>
      %gather3A_693 = tpu.vector_load_idx %gather3A_692[%get3A_642] : memref<6912xf32, #tpu.memory_space<vmem>>[vector<16xi32>], vector<16xf32>,
      %gather3A_694 = arith.constant 0 : i32
      %gather3A_695 = tpu.memref_slice %arg8[%gather3A_694] : memref<20736xf32, #tpu.memory_space<vmem>> -> memref<6912xf32, #tpu.memory_space<vmem>>
      %gather3A_696 = tpu.vector_load_idx %gather3A_695[%get3A_648] : memref<6912xf32, #tpu.memory_space<vmem>>[vector<16xi32>], vector<16xf32>,
      %gather3A_697 = arith.constant 6912 : i32
      %gather3A_698 = tpu.memref_slice %arg8[%gather3A_697] : memref<20736xf32, #tpu.memory_space<vmem>> -> memref<6912xf32, #tpu.memory_space<vmem>>
      %gather3A_699 = tpu.vector_load_idx %gather3A_698[%get3A_648] : memref<6912xf32, #tpu.memory_space<vmem>>[vector<16xi32>], vector<16xf32>,
      %gather3A_700 = arith.constant 13824 : i32
      %gather3A_701 = tpu.memref_slice %arg8[%gather3A_700] : memref<20736xf32, #tpu.memory_space<vmem>> -> memref<6912xf32, #tpu.memory_space<vmem>>
      %gather3A_702 = tpu.vector_load_idx %gather3A_701[%get3A_648] : memref<6912xf32, #tpu.memory_space<vmem>>[vector<16xi32>], vector<16xf32>,
      %sub3A_703 = arith.subf %gather3A_651, %gather3A_660 : vector<16xf32>
      %sub3A_704 = arith.subf %gather3A_654, %gather3A_663 : vector<16xf32>
      %sub3A_705 = arith.subf %gather3A_657, %gather3A_666 : vector<16xf32>
      %mul3A_706 = arith.mulf %sub3A_703, %sub3A_703 : vector<16xf32>
      %mul3A_707 = arith.mulf %sub3A_704, %sub3A_704 : vector<16xf32>
      %add3A_708 = arith.addf %mul3A_706, %mul3A_707 : vector<16xf32>
      %mul3A_709 = arith.mulf %sub3A_705, %sub3A_705 : vector<16xf32>
      %add3A_710 = arith.addf %add3A_708, %mul3A_709 : vector<16xf32>
      %sub3A_711 = arith.subf %gather3A_678, %gather3A_687 : vector<16xf32>
      %sub3A_712 = arith.subf %gather3A_681, %gather3A_690 : vector<16xf32>
      %sub3A_713 = arith.subf %gather3A_684, %gather3A_693 : vector<16xf32>
      %mul3A_714 = arith.mulf %sub3A_711, %sub3A_711 : vector<16xf32>
      %mul3A_715 = arith.mulf %sub3A_712, %sub3A_712 : vector<16xf32>
      %add3A_716 = arith.addf %mul3A_714, %mul3A_715 : vector<16xf32>
      %mul3A_717 = arith.mulf %sub3A_713, %sub3A_713 : vector<16xf32>
      %add3A_718 = arith.addf %add3A_716, %mul3A_717 : vector<16xf32>
      %mul3A_719 = arith.mulf %add3A_710, %add3A_718 : vector<16xf32>
      %bitcast_convert_type3A_720 = tpu.bitcast %mul3A_719 : vector<16xf32> -> vector<16xi32>
      %shift_right_logical3A_721 = arith.constant 1 : i32
      %shift_right_logical3A_722 = vector.broadcast %shift_right_logical3A_721 : i32 to vector<16xi32>
      %shift_right_logical3A_723 = arith.shrui %bitcast_convert_type3A_720, %shift_right_logical3A_722 : vector<16xi32>
      %sub3A_724 = arith.constant 1597463007 : i32
      %sub3A_725 = vector.broadcast %sub3A_724 : i32 to vector<16xi32>
      %sub3A_726 = arith.subi %sub3A_725, %shift_right_logical3A_723 : vector<16xi32>
      %bitcast_convert_type3A_727 = tpu.bitcast %sub3A_726 : vector<16xi32> -> vector<16xf32>
      %mul3A_728 = arith.constant 5.000000e-01 : f32
      %mul3A_729 = vector.broadcast %mul3A_728 : f32 to vector<16xf32>
      %mul3A_730 = arith.mulf %mul3A_729, %mul3A_719 : vector<16xf32>
      %mul3A_731 = arith.mulf %mul3A_730, %bitcast_convert_type3A_727 : vector<16xf32>
      %mul3A_732 = arith.mulf %mul3A_731, %bitcast_convert_type3A_727 : vector<16xf32>
      %sub3A_733 = arith.constant 1.500000e+00 : f32
      %sub3A_734 = vector.broadcast %sub3A_733 : f32 to vector<16xf32>
      %sub3A_735 = arith.subf %sub3A_734, %mul3A_732 : vector<16xf32>
      %mul3A_736 = arith.mulf %bitcast_convert_type3A_727, %sub3A_735 : vector<16xf32>
      %mul3A_737 = arith.mulf %add3A_710, %mul3A_736 : vector<16xf32>
      %eq3A_738 = arith.cmpf oeq, %add3A_710, %add3A_718 : vector<16xf32>
      %sub3A_739 = arith.constant 1.000000e+00 : f32
      %sub3A_740 = vector.broadcast %sub3A_739 : f32 to vector<16xf32>
      %sub3A_741 = arith.subf %mul3A_737, %sub3A_740 : vector<16xf32>
      %abs3A_742 = math.absf %sub3A_741 : vector<16xf32>
      %jit3A_743 = arith.constant 0.000000e+00 : f32
      %broadcast_in_dim3A_744 = vector.broadcast %jit3A_743 : f32 to vector<16xf32>
      %select_n3A_745 = arith.select %eq3A_738, %broadcast_in_dim3A_744, %abs3A_742 : vector<16xi1>, vector<16xf32>
      %sub3A_746 = arith.subf %gather3A_651, %gather3A_669 : vector<16xf32>
      %sub3A_747 = arith.subf %gather3A_654, %gather3A_672 : vector<16xf32>
      %sub3A_748 = arith.subf %gather3A_657, %gather3A_675 : vector<16xf32>
      %mul3A_749 = arith.mulf %sub3A_746, %sub3A_746 : vector<16xf32>
      %mul3A_750 = arith.mulf %sub3A_747, %sub3A_747 : vector<16xf32>
      %add3A_751 = arith.addf %mul3A_749, %mul3A_750 : vector<16xf32>
      %mul3A_752 = arith.mulf %sub3A_748, %sub3A_748 : vector<16xf32>
      %add3A_753 = arith.addf %add3A_751, %mul3A_752 : vector<16xf32>
      %sub3A_754 = arith.subf %gather3A_678, %gather3A_696 : vector<16xf32>
      %sub3A_755 = arith.subf %gather3A_681, %gather3A_699 : vector<16xf32>
      %sub3A_756 = arith.subf %gather3A_684, %gather3A_702 : vector<16xf32>
      %mul3A_757 = arith.mulf %sub3A_754, %sub3A_754 : vector<16xf32>
      %mul3A_758 = arith.mulf %sub3A_755, %sub3A_755 : vector<16xf32>
      %add3A_759 = arith.addf %mul3A_757, %mul3A_758 : vector<16xf32>
      %mul3A_760 = arith.mulf %sub3A_756, %sub3A_756 : vector<16xf32>
      %add3A_761 = arith.addf %add3A_759, %mul3A_760 : vector<16xf32>
      %mul3A_762 = arith.mulf %add3A_753, %add3A_761 : vector<16xf32>
      %bitcast_convert_type3A_763 = tpu.bitcast %mul3A_762 : vector<16xf32> -> vector<16xi32>
      %shift_right_logical3A_764 = arith.constant 1 : i32
      %shift_right_logical3A_765 = vector.broadcast %shift_right_logical3A_764 : i32 to vector<16xi32>
      %shift_right_logical3A_766 = arith.shrui %bitcast_convert_type3A_763, %shift_right_logical3A_765 : vector<16xi32>
      %sub3A_767 = arith.constant 1597463007 : i32
      %sub3A_768 = vector.broadcast %sub3A_767 : i32 to vector<16xi32>
      %sub3A_769 = arith.subi %sub3A_768, %shift_right_logical3A_766 : vector<16xi32>
      %bitcast_convert_type3A_770 = tpu.bitcast %sub3A_769 : vector<16xi32> -> vector<16xf32>
      %mul3A_771 = arith.constant 5.000000e-01 : f32
      %mul3A_772 = vector.broadcast %mul3A_771 : f32 to vector<16xf32>
      %mul3A_773 = arith.mulf %mul3A_772, %mul3A_762 : vector<16xf32>
      %mul3A_774 = arith.mulf %mul3A_773, %bitcast_convert_type3A_770 : vector<16xf32>
      %mul3A_775 = arith.mulf %mul3A_774, %bitcast_convert_type3A_770 : vector<16xf32>
      %sub3A_776 = arith.constant 1.500000e+00 : f32
      %sub3A_777 = vector.broadcast %sub3A_776 : f32 to vector<16xf32>
      %sub3A_778 = arith.subf %sub3A_777, %mul3A_775 : vector<16xf32>
      %mul3A_779 = arith.mulf %bitcast_convert_type3A_770, %sub3A_778 : vector<16xf32>
      %mul3A_780 = arith.mulf %add3A_753, %mul3A_779 : vector<16xf32>
      %eq3A_781 = arith.cmpf oeq, %add3A_753, %add3A_761 : vector<16xf32>
      %sub3A_782 = arith.constant 1.000000e+00 : f32
      %sub3A_783 = vector.broadcast %sub3A_782 : f32 to vector<16xf32>
      %sub3A_784 = arith.subf %mul3A_780, %sub3A_783 : vector<16xf32>
      %abs3A_785 = math.absf %sub3A_784 : vector<16xf32>
      %jit3A_786 = arith.constant 0.000000e+00 : f32
      %broadcast_in_dim3A_787 = vector.broadcast %jit3A_786 : f32 to vector<16xf32>
      %select_n3A_788 = arith.select %eq3A_781, %broadcast_in_dim3A_787, %abs3A_785 : vector<16xi1>, vector<16xf32>
      %add3A_789 = arith.addf %select_n3A_745, %select_n3A_788 : vector<16xf32>
      %sub3A_790 = arith.subf %gather3A_660, %gather3A_669 : vector<16xf32>
      %sub3A_791 = arith.subf %gather3A_663, %gather3A_672 : vector<16xf32>
      %sub3A_792 = arith.subf %gather3A_666, %gather3A_675 : vector<16xf32>
      %mul3A_793 = arith.mulf %sub3A_790, %sub3A_790 : vector<16xf32>
      %mul3A_794 = arith.mulf %sub3A_791, %sub3A_791 : vector<16xf32>
      %add3A_795 = arith.addf %mul3A_793, %mul3A_794 : vector<16xf32>
      %mul3A_796 = arith.mulf %sub3A_792, %sub3A_792 : vector<16xf32>
      %add3A_797 = arith.addf %add3A_795, %mul3A_796 : vector<16xf32>
      %sub3A_798 = arith.subf %gather3A_687, %gather3A_696 : vector<16xf32>
      %sub3A_799 = arith.subf %gather3A_690, %gather3A_699 : vector<16xf32>
      %sub3A_800 = arith.subf %gather3A_693, %gather3A_702 : vector<16xf32>
      %mul3A_801 = arith.mulf %sub3A_798, %sub3A_798 : vector<16xf32>
      %mul3A_802 = arith.mulf %sub3A_799, %sub3A_799 : vector<16xf32>
      %add3A_803 = arith.addf %mul3A_801, %mul3A_802 : vector<16xf32>
      %mul3A_804 = arith.mulf %sub3A_800, %sub3A_800 : vector<16xf32>
      %add3A_805 = arith.addf %add3A_803, %mul3A_804 : vector<16xf32>
      %mul3A_806 = arith.mulf %add3A_797, %add3A_805 : vector<16xf32>
      %bitcast_convert_type3A_807 = tpu.bitcast %mul3A_806 : vector<16xf32> -> vector<16xi32>
      %shift_right_logical3A_808 = arith.constant 1 : i32
      %shift_right_logical3A_809 = vector.broadcast %shift_right_logical3A_808 : i32 to vector<16xi32>
      %shift_right_logical3A_810 = arith.shrui %bitcast_convert_type3A_807, %shift_right_logical3A_809 : vector<16xi32>
      %sub3A_811 = arith.constant 1597463007 : i32
      %sub3A_812 = vector.broadcast %sub3A_811 : i32 to vector<16xi32>
      %sub3A_813 = arith.subi %sub3A_812, %shift_right_logical3A_810 : vector<16xi32>
      %bitcast_convert_type3A_814 = tpu.bitcast %sub3A_813 : vector<16xi32> -> vector<16xf32>
      %mul3A_815 = arith.constant 5.000000e-01 : f32
      %mul3A_816 = vector.broadcast %mul3A_815 : f32 to vector<16xf32>
      %mul3A_817 = arith.mulf %mul3A_816, %mul3A_806 : vector<16xf32>
      %mul3A_818 = arith.mulf %mul3A_817, %bitcast_convert_type3A_814 : vector<16xf32>
      %mul3A_819 = arith.mulf %mul3A_818, %bitcast_convert_type3A_814 : vector<16xf32>
      %sub3A_820 = arith.constant 1.500000e+00 : f32
      %sub3A_821 = vector.broadcast %sub3A_820 : f32 to vector<16xf32>
      %sub3A_822 = arith.subf %sub3A_821, %mul3A_819 : vector<16xf32>
      %mul3A_823 = arith.mulf %bitcast_convert_type3A_814, %sub3A_822 : vector<16xf32>
      %mul3A_824 = arith.mulf %add3A_797, %mul3A_823 : vector<16xf32>
      %eq3A_825 = arith.cmpf oeq, %add3A_797, %add3A_805 : vector<16xf32>
      %sub3A_826 = arith.constant 1.000000e+00 : f32
      %sub3A_827 = vector.broadcast %sub3A_826 : f32 to vector<16xf32>
      %sub3A_828 = arith.subf %mul3A_824, %sub3A_827 : vector<16xf32>
      %abs3A_829 = math.absf %sub3A_828 : vector<16xf32>
      %jit3A_830 = arith.constant 0.000000e+00 : f32
      %broadcast_in_dim3A_831 = vector.broadcast %jit3A_830 : f32 to vector<16xf32>
      %select_n3A_832 = arith.select %eq3A_825, %broadcast_in_dim3A_831, %abs3A_829 : vector<16xi1>, vector<16xf32>
      %add3A_833 = arith.addf %add3A_789, %select_n3A_832 : vector<16xf32>
      %add3A_834 = arith.addf %add3A_632, %add3A_833 : vector<16xf32>
      scf.yield %add3A_834 : vector<16xf32>
    }
    %scan3A_222 = arith.constant 287 : i32
    %swap3A = arith.constant 0 : index
    %swap3A_223 = tpu.vector_load %arg10[%swap3A] {strides = array<i32>} : memref<16xf32, #tpu.memory_space<vmem>>, vector<16xf32>,
    tpu.vector_store %arg10[%swap3A], %scan3A_221 {strides = array<i32>} : memref<16xf32, #tpu.memory_space<vmem>>, vector<16xf32>,
    %swap3A_224 = arith.constant 0 : index
    %swap3A_225 = tpu.vector_load %arg11[%swap3A_224] {strides = array<i32>} : memref<16xf32, #tpu.memory_space<vmem>>, vector<16xf32>,
    tpu.vector_store %arg11[%swap3A_224], %scan3A_180 {strides = array<i32>} : memref<16xf32, #tpu.memory_space<vmem>>, vector<16xf32>,
    "tpu.region"() ({
      %run_scoped3A = tpu.sem_alloc : memref<!tpu.dma_semaphore, #tpu.memory_space<semaphore_mem>>
      %dma_start3A_226 = arith.constant 0 : i32
      %dma_start3A_227 = tpu.memref_slice %arg5[%add3A, %dma_start3A_226] : memref<32x16xf32, #tpu.memory_space<hbm>> -> memref<1x16xf32, #tpu.memory_space<hbm>>
      %dma_start3A_228 = tpu.memref_squeeze %dma_start3A_227 : memref<1x16xf32, #tpu.memory_space<hbm>> -> memref<16xf32, #tpu.memory_space<hbm>>
      %dma_start3A_229 = arith.constant 0 : i32
      %dma_start3A_230 = tpu.memref_slice %arg5[%add3A, %dma_start3A_229] : memref<32x16xf32, #tpu.memory_space<hbm>> -> memref<1x16xf32, #tpu.memory_space<hbm>>
      %dma_start3A_231 = tpu.memref_squeeze %dma_start3A_230 : memref<1x16xf32, #tpu.memory_space<hbm>> -> memref<16xf32, #tpu.memory_space<hbm>>
      tpu.enqueue_dma source(%arg10 : memref<16xf32, #tpu.memory_space<vmem>>) target(%dma_start3A_231 : memref<16xf32, #tpu.memory_space<hbm>>) target_semaphore(%run_scoped3A : memref<!tpu.dma_semaphore, #tpu.memory_space<semaphore_mem>>)
      %dma_wait3A_232 = arith.constant 0 : i32
      %dma_wait3A_233 = tpu.memref_slice %arg5[%add3A, %dma_wait3A_232] : memref<32x16xf32, #tpu.memory_space<hbm>> -> memref<1x16xf32, #tpu.memory_space<hbm>>
      %dma_wait3A_234 = tpu.memref_squeeze %dma_wait3A_233 : memref<1x16xf32, #tpu.memory_space<hbm>> -> memref<16xf32, #tpu.memory_space<hbm>>
      %dma_wait3A_235 = arith.constant 0 : i32
      %dma_wait3A_236 = tpu.memref_slice %arg5[%add3A, %dma_wait3A_235] : memref<32x16xf32, #tpu.memory_space<hbm>> -> memref<1x16xf32, #tpu.memory_space<hbm>>
      %dma_wait3A_237 = tpu.memref_squeeze %dma_wait3A_236 : memref<1x16xf32, #tpu.memory_space<hbm>> -> memref<16xf32, #tpu.memory_space<hbm>>
      tpu.wait_dma2 semaphore(%run_scoped3A : memref<!tpu.dma_semaphore, #tpu.memory_space<semaphore_mem>>) src(%arg10 : memref<16xf32, #tpu.memory_space<vmem>>) dst(%dma_wait3A_237 : memref<16xf32, #tpu.memory_space<hbm>>)
      tpu.yield
    }) : () -> ()
    "tpu.region"() ({
      %run_scoped3A = tpu.sem_alloc : memref<!tpu.dma_semaphore, #tpu.memory_space<semaphore_mem>>
      %dma_start3A_226 = arith.constant 0 : i32
      %dma_start3A_227 = tpu.memref_slice %arg6[%add3A, %dma_start3A_226] : memref<32x16xf32, #tpu.memory_space<hbm>> -> memref<1x16xf32, #tpu.memory_space<hbm>>
      %dma_start3A_228 = tpu.memref_squeeze %dma_start3A_227 : memref<1x16xf32, #tpu.memory_space<hbm>> -> memref<16xf32, #tpu.memory_space<hbm>>
      %dma_start3A_229 = arith.constant 0 : i32
      %dma_start3A_230 = tpu.memref_slice %arg6[%add3A, %dma_start3A_229] : memref<32x16xf32, #tpu.memory_space<hbm>> -> memref<1x16xf32, #tpu.memory_space<hbm>>
      %dma_start3A_231 = tpu.memref_squeeze %dma_start3A_230 : memref<1x16xf32, #tpu.memory_space<hbm>> -> memref<16xf32, #tpu.memory_space<hbm>>
      tpu.enqueue_dma source(%arg11 : memref<16xf32, #tpu.memory_space<vmem>>) target(%dma_start3A_231 : memref<16xf32, #tpu.memory_space<hbm>>) target_semaphore(%run_scoped3A : memref<!tpu.dma_semaphore, #tpu.memory_space<semaphore_mem>>)
      %dma_wait3A_232 = arith.constant 0 : i32
      %dma_wait3A_233 = tpu.memref_slice %arg6[%add3A, %dma_wait3A_232] : memref<32x16xf32, #tpu.memory_space<hbm>> -> memref<1x16xf32, #tpu.memory_space<hbm>>
      %dma_wait3A_234 = tpu.memref_squeeze %dma_wait3A_233 : memref<1x16xf32, #tpu.memory_space<hbm>> -> memref<16xf32, #tpu.memory_space<hbm>>
      %dma_wait3A_235 = arith.constant 0 : i32
      %dma_wait3A_236 = tpu.memref_slice %arg6[%add3A, %dma_wait3A_235] : memref<32x16xf32, #tpu.memory_space<hbm>> -> memref<1x16xf32, #tpu.memory_space<hbm>>
      %dma_wait3A_237 = tpu.memref_squeeze %dma_wait3A_236 : memref<1x16xf32, #tpu.memory_space<hbm>> -> memref<16xf32, #tpu.memory_space<hbm>>
      tpu.wait_dma2 semaphore(%run_scoped3A : memref<!tpu.dma_semaphore, #tpu.memory_space<semaphore_mem>>) src(%arg11 : memref<16xf32, #tpu.memory_space<vmem>>) dst(%dma_wait3A_237 : memref<16xf32, #tpu.memory_space<hbm>>)
      tpu.yield
    }) : () -> ()
    return
  }
}

</mosaic_0001>

<sc_bundles>
// kernel: kernel.3.cloned.1.call-start
scs
__scs_entry_jumppad:
0x0: {  	(pc) =	sbr.rel $0x88, $3  }
0x1: {  	(tag) =	ssettag $0x0;
	lr =	simm.s32 $0x1  }
0x2: {  	[smem:$0x3F9E] =	sst lr;
	_ =	strace $0xD0000000  }
0x3: {  	_ = 	snop  }
0x4: {  	_ = 	snop  }
0x5: {  	_ = 	snop  }
0x6: {  	_ = 	snop  }
0x7: {  	_ = 	snop  }
__scs_overlays_trampoline_lowered:
0x8: {  	[smem:$0x3FAD] =	sst s0  }
0x9: {  	[smem:$0x3FAE] =	sst s1  }
0xa: {  	[smem:$0x3FAF] =	sst s2  }
0xb: {  	[smem:$0x3FB0] =	sst s3  }
0xc: {  	[smem:$0x3FB1] =	sst s4  }
0xd: {  	[smem:$0x3FB2] =	sst s5  }
0xe: {  	[smem:$0x3FB3] =	sst s6  }
0xf: {  	[smem:$0x3FB4] =	sst s7  }
0x10: {  	[smem:$0x3FB5] =	sst s8  }
0x11: {  	[smem:$0x3FB6] =	sst s9;
	s0 =	simm.s32 @!p0 $0x0  }
0x12: {  	s1 =	sld [smem:$0x3F9C];
	s0 =	simm.s32 @p0 $0x1  }
0x13: {  	[smem:$0x3FB7] =	sst s0;
	s0 =	simm.s32 @!p1 $0x0  }
0x14: {  	s2 =	sld [smem:$0x3F9B];
	s0 =	simm.s32 @p1 $0x1  }
0x15: {  	[smem:$0x3FB8] =	sst s0;
	s0 =	simm.s32 @!p2 $0x0  }
0x16: {  	s3 =	sld [smem:$0x3FDB];
	s0 =	simm.s32 @p2 $0x1  }
0x17: {  	s4 =	simm.s32 $0x1BF5;
	[smem:$0x3FBA] =	sst s0  }
0x18: {  	s0 =	sld [smem:$0x3F9D];
	_ =	swait.ge [sflag:s4], $0x0  }
0x19: {  	s7 =	sld [smem:$0x3F9E]  }
0x1a: {  	s8 =	sadd.s32 $0xFFFFE003, lr  }
0x1b: {  	s9 =	sadd.s32 $0xFFFFFEF7, lr;
	s5 =	simm.s32 $0xFFFFFFFF;
	p2 =	slt.u32 s8, $0xFFFFF086  }
0x1c: {  	p1 =	slt.u32 s9, $0xF7A;
	s5 =	simm.s32 @!p2 $0x0  }
0x1d: {  	s5 =	simm.s32 @p1 $0x1;
	p0 =	seq.s32 s7, s2  }
0x1e: {  	s7 =	smul.u32 @!p0 $0xF7A, s2;
	p2 =	seq.s32 @!p0 s5, $0x0  }
0x1f: {  	s9 =	smul.u32 $0xF7A, s1;
	s8 =	simm.s32 @!p0 $0x1BF5;
	p2 =	por !p2, p0  }
0x20: {  	[sflag:s8] =	ssyncset.s32 @!p0 $0xFFFFF086;
	s6 =	sadd.s32 @!p0 s3, s7;
	s7 =	simm.s32 @!p0 $0x108  }
0x21: {  	s3 =	sadd.s32 s3, s9;
	s6 =	sadd.s32 @!p0 $0x88, s6;
	s7 =	simm.s32 @p2 $0x1082  }
0x22: {  	[simem:s7], [sflag:s8] =	dma.local @!p0 [hbm:s6], $0xF7A  }
0x23: {  	s9 =	sor.u32 $0xD0000000, s2;
	s6 =	simm.s32 $0x108;
	_ =	swait.ge @!p0 [sflag:s8], $0x0  }
0x24: {  	s3 =	sadd.s32 $0x88, s3;
	s6 =	simm.s32 @!p1 $0x1082;
	[sflag:s4] =	ssyncset.s32 $0xFFFFF086  }
0x25: {  	[simem:s6], [sflag:s4] =	dma.local [hbm:s3], $0xF7A  }
0x26: {  	[smem:$0x3F9E] =	sst s1;
	(tag) =	ssettag s2;
	_ =	strace s9  }
0x27: {  	s1 =	sld [smem:$0x3FAE]  }
0x28: {  	s2 =	sld [smem:$0x3FAF]  }
0x29: {  	s4 =	sld [smem:$0x3FB1]  }
0x2a: {  	p0 =	seq.s32 s5, $0x0;
	s5 =	sld [smem:$0x3FB2]  }
0x2b: {  	s6 =	sld [smem:$0x3FB3]  }
0x2c: {  	s7 =	sld [smem:$0x3FB4]  }
0x2d: {  	s3 =	simm.s32 $0x108;
	s8 =	sld [smem:$0x3FB5]  }
0x2e: {  	s3 =	simm.s32 @!p0 $0x1082;
	s9 =	sld [smem:$0x3FB6]  }
0x2f: {  	lr =	sadd.s32 s0, s3;
	s0 =	sld [smem:$0x3FAD]  }
0x30: {  	s3 =	sld [smem:$0x3FB0]  }
0x31: {  	[smem:$0x3FB9] =	sst s10  }
0x32: {  	s10 =	sld [smem:$0x3FB7];
	_ =	sdelay $0x3  }
0x33: {  	p0 =	seq.s32 s10, $0x1;
	s10 =	sld [smem:$0x3FB9];
	_ =	sdelay $0x3  }
0x34: {  	[smem:$0x3FB9] =	sst s10  }
0x35: {  	s10 =	sld [smem:$0x3FB8];
	_ =	sdelay $0x3  }
0x36: {  	p1 =	seq.s32 s10, $0x1;
	s10 =	sld [smem:$0x3FB9];
	_ =	sdelay $0x3  }
0x37: {  	[smem:$0x3FB9] =	sst s10  }
0x38: {  	s10 =	sld [smem:$0x3FBA]  }
0x39: {  	_ = 	snop;
	(pc) =	sbr.ind lr, $3  }
0x3a: {  	_ = 	snop  }
0x3b: {  	_ = 	snop  }
0x3c: {  	p2 =	seq.s32 s10, $0x1;
	s10 =	sld [smem:$0x3FB9]  }
0x3d: {  	_ =	shalt  }
0x3e: {  	_ =	shalt  }
0x3f: {  	_ =	shalt  }
0x40: {  	_ =	shalt  }
0x41: {  	_ =	shalt  }
0x42: {  	_ =	shalt  }
0x43: {  	_ =	shalt  }
0x44: {  	_ =	shalt  }
0x45: {  	_ =	shalt  }
0x46: {  	_ =	shalt  }
0x47: {  	_ =	shalt  }
0x48: {  	_ =	shalt  }
0x49: {  	_ =	shalt  }
0x4a: {  	_ =	shalt  }
0x4b: {  	_ =	shalt  }
0x4c: {  	_ =	shalt  }
0x4d: {  	_ =	shalt  }
0x4e: {  	_ =	shalt  }
0x4f: {  	_ =	shalt  }
0x50: {  	_ =	shalt  }
0x51: {  	_ =	shalt  }
0x52: {  	_ =	shalt  }
0x53: {  	_ =	shalt  }
0x54: {  	_ =	shalt  }
0x55: {  	_ =	shalt  }
0x56: {  	_ =	shalt  }
0x57: {  	_ =	shalt  }
0x58: {  	_ =	shalt  }
0x59: {  	_ =	shalt  }
0x5a: {  	_ =	shalt  }
0x5b: {  	_ =	shalt  }
0x5c: {  	_ =	shalt  }
0x5d: {  	_ =	shalt  }
0x5e: {  	_ =	shalt  }
0x5f: {  	_ =	shalt  }
0x60: {  	_ =	shalt  }
0x61: {  	_ =	shalt  }
0x62: {  	_ =	shalt  }
0x63: {  	_ =	shalt  }
0x64: {  	_ =	shalt  }
0x65: {  	_ =	shalt  }
0x66: {  	_ =	shalt  }
0x67: {  	_ =	shalt  }
0x68: {  	_ =	shalt  }
0x69: {  	_ =	shalt  }
0x6a: {  	_ =	shalt  }
0x6b: {  	_ =	shalt  }
0x6c: {  	_ =	shalt  }
0x6d: {  	_ =	shalt  }
0x6e: {  	_ =	shalt  }
0x6f: {  	_ =	shalt  }
0x70: {  	_ =	shalt  }
0x71: {  	_ =	shalt  }
0x72: {  	_ =	shalt  }
0x73: {  	_ =	shalt  }
0x74: {  	_ =	shalt  }
0x75: {  	_ =	shalt  }
0x76: {  	_ =	shalt  }
0x77: {  	_ =	shalt  }
0x78: {  	_ =	shalt  }
0x79: {  	_ =	shalt  }
0x7a: {  	_ =	shalt  }
0x7b: {  	_ =	shalt  }
0x7c: {  	_ =	shalt  }
0x7d: {  	_ =	shalt  }
0x7e: {  	_ =	shalt  }
0x7f: {  	_ =	shalt  }
0x80: {  	_ =	shalt  }
0x81: {  	_ =	shalt  }
0x82: {  	_ =	shalt  }
0x83: {  	_ =	shalt  }
0x84: {  	_ =	shalt  }
0x85: {  	_ =	shalt  }
0x86: {  	_ =	shalt  }
0x87: {  	_ =	shalt  }
.Lfunc_end0:
.L_simem_size_0:
called_computation_lowered:
.L_overlay_start_0:
0x88: {  	s2 =	sld [smem:$0x3FD9]  }
0x89: {  	s3 =	sld [smem:$0x3FFE];
	_ =	sdelay $0x1  }
0x8a: {  	s1 =	srdreg.scid  }
0x8b: {  	s0 =	sand.u32 $0x1, s1  }
0x8c: {  	s16 =	sshll.u32 s0, $0xA;
	s2 =	sadd.s32 s3, s2  }
0x8d: {  	s2 =	sadd.s32 s2, s16  }
0x8e: {  	[smem:$0x3FC5] =	sst s2  }
0x8f: {  	_ = 	snop  }
0x90: {  	(tm) =	ssettm $0x1  }
0x91: {  	s17 =	sld [smem:$0x3FFB];
	_ =	sdelay $0x3  }
0x92: {  	_ =	strace s17  }
0x93: {  	s2 =	sld [smem:$0x3FFC];
	_ =	sdelay $0x3  }
0x94: {  	_ =	strace s2  }
0x95: {  	s2 =	sld [smem:$0x3FFD];
	_ =	sdelay $0x3  }
0x96: {  	_ =	strace s2  }
0x97: {  	_ =	strace $0x8FFFFFFF  }
0x98: {  	s18 =	sld [smem:$0x3FDB];
	_ =	sdelay $0x1  }
0x99: {  	s19 =	simm.s32 $_scs_section_size  }
0x9a: {  	s4 =	simm.s32 $_size__tile_overlayer_lowered;
	s5 =	simm.s32 $_tile_overlayer_lowered  }
0x9b: {  	s22 =	simm.s32 $0x1BFF;
	s21 =	sshll.u32 s5, $0x1;
	s2 =	sadd.s32 s19, s18  }
0x9c: {  	s6 =	simm.s32 $0x0;
	s20 =	sshll.u32 s4, $0x1;
	s4 =	sadd.s32 s21, s2  }
0x9d: {  	[timem:s6], [sflag:s22] =	dma.local [hbm:s4], s20  }
0x9e: {  	_ =	swait.ge [sflag:s22], s20  }
0x9f: {  	s3 =	ssub.s32 $0x0, s20;
	[sflag:s22] =	ssyncset.done $0x0  }
0xa0: {  	[sflag:s22] =	ssyncadd.s32 s3;
	_ =	sdelay $0x1  }
0xa1: {  	s23 =	simm.s32 $0x1B8B  }
0xa2: {  	_ =	swait.ge [sflag:s23], $0x1  }
0xa3: {  	[sflag:s23] =	ssyncset.done $0x0  }
0xa4: {  	s25 =	simm.s32 $0x1B8E;
	s24 =	sld [smem:$0x3FFE];
	[sflag:s23] =	ssyncadd.s32 $0xFFFFFFFF  }
0xa5: {  	s26 =	simm.s32 $execute0_lowered;
	[smem:$0x3FD2] =	sst s25  }
0xa6: {  	s4 =	sshll.u32 s26, $0x1;
	_ =	strace $0x80000046;
	[dreg:$0x1] =	wrdreg $0xFFFFFFFF  }
0xa7: {  	s28 =	simm.s32 $_size_execute0_lowered;
	s2 =	sadd.s32 s2, s4;
	[dreg:$0x0] =	wrdreg $0x0  }
0xa8: {  	s4 =	sshll.u32 s28, $0x1;
	[dreg:$0x2] =	wrdreg s2  }
0xa9: {  	[dreg:$0x3] =	wrdreg s4  }
0xaa: {  	[dreg:$0x4] =	wrdreg $0xC0  }
0xab: {  	_ =	task [dreg:s6], $0x5FFFF  }
0xac: {  	[dreg:$0x1] =	wrdreg $0xFFFFFFFF  }
0xad: {  	[dreg:$0x0] =	wrdreg $0x60  }
0xae: {  	[dreg:$0x2] =	wrdreg s24  }
0xaf: {  	[dreg:$0x3] =	wrdreg $0x9  }
0xb0: {  	_ =	task.clear_ibuf [dreg:s6], $0x4FFFF;
	_ =	strace $0x90000046  }
0xb1: {  	s29 =	simm.s32 $0x9;
	_ =	strace $0x80000048  }
0xb2: {  	_ =	swait.ge [sflag:s29], $0x1  }
0xb3: {  	[sflag:s29] =	ssyncadd.s32 $0xFFFFFFFF  }
0xb4: {  	_ =	strace $0x90000048  }
0xb5: {  	_ =	sfence  }
0xb6: {  	s30 =	sld [smem:$0x0];
	_ =	sdelay $0x2  }
0xb7: {  	s31 =	sshll.u32 s1, $0xD;
	s1 =	sshrl.u32 s1, $0x2  }
0xb8: {  	s3 =	sand.u32 $0x4000, s31;
	s1 =	sadd.s32 s1, s30  }
0xb9: {  	s0 =	sor.u32 s3, s0;
	s1 =	sshll.u32 s1, $0x11  }
0xba: {  	s0 =	sor.u32 s1, s0  }
0xbb: {  	s0 =	sadd.s32 $0x8F2B, s0  }
0xbc: {  	[sflag:s0] =	ssyncadd.remote.s32 $0x1  }
0xbd: {  	_ =	sfence.sel $0xFFFF  }
0xbe: {  	[dreg:$0x0] =	wrdreg $0xFFFFFFFF;
	(pc) =	sbr.abs _section_cstart, $3  }
0xbf: {  	[dreg:$0x1] =	wrdreg $0xFFFFFFFF  }
0xc0: {  	_ =	task.clear_ibuf [dreg:s6], $0x2FFFF;
	_ =	strace $0x9FFFFFFF  }
0xc1: {  	(tm) =	ssettm $0x7FFFFFFF  }
tec
execute0_lowered:
.L_overlay_start_1:
0x0: {  	(tag) =	ssettag $0x1  }
0x1: {  	s0 =	srdreg.scid  }
0x2: {  	s2 =	stileid.u32;
	s1 =	rddreg [dreg:$0x0]  }
0x3: {  	s15 =	simm.s32 $0x5100;
	s16 =	simm.s32 $0xA200;
	s17 =	simm.s32 $0x1B00  }
0x4: {  	s18 =	simm.s32 $0x6C00;
	s19 =	simm.s32 $0xD800;
	s20 =	simm.s32 $0x3600  }
0x5: {  	s21 =	simm.s32 $0x8700;
	s22 =	simm.s32 $0x10E00;
	s23 =	simm.s32 $0x1  }
0x6: {  	s24 =	simm.s32 $0x2;
	s25 =	simm.s32 $0x3;
	s28 =	simm.s32 $0x14400  }
0x7: {  	s29 =	simm.s32 $0x5;
	s30 =	simm.s32 $0x14410;
	s31 =	simm.s32 $0x0  }
0x8: {  	s0 =	sand.u32 $0x1, s0;
	s3 =	sshll.u32 s2, $0x1;
	s2 =	simm.s32 $0x0  }
0x9: {  	s9 =	sadd.s32 $0x3CE00, s1;
	s10 =	sadd.s32 $0x28A00, s1;
	s3 =	sor.u32 s0, s3  }
0xa: {  	[smem:$0x7FF] =	sst s2;
	s0 =	ssub.s32 $0x2, s0;
	s4 =	smul.u32 $0x3600, s3  }
0xb: {  	_ =	strace $0x80000047;
	s5 =	smul.u32 $0x1B00, s3;
	s26 =	sshrl.u32 s0, $0x1  }
0xc: {  	s3 =	sshll.u32 s3, $0x1;
	s0 =	ssub.s32 s0, s26;
	s26 =	simm.s32 $0x4  }
0xd: {  	s4 =	sshrl.u32 s4, $0x3;
	s7 =	sshrl.u32 s5, $0x3;
	s14 =	smax.u32 s0, $0x1  }
0xe: {  	s11 =	sadd.s32 s4, s1;
	s1 =	sadd.s32 s3, s1;
	s3 =	sadd.s32 s9, s7  }
0xf: {  	s4 =	sadd.s32 s10, s7;
	s8 =	sadd.s32 $0x6C00, s7;
	s12 =	sadd.s32 $0xD800, s7  }
0x10: {  	s5 =	sadd.s32 $0x200, s11;
	s6 =	sadd.s32 s9, s8;
	s7 =	sadd.s32 s10, s8  }
0x11: {  	s8 =	sadd.s32 $0xDA00, s11;
	s9 =	sadd.s32 s9, s12;
	s10 =	sadd.s32 s10, s12  }
0x12: {  	s11 =	sadd.s32 $0x1B200, s11;
	s12 =	sadd.s32 $0x51400, s1;
	s13 =	sadd.s32 $0x51200, s1  }
.LBB2_1:
0x13: {  	[tilespmem:s2], [sflag:$0x1] =	stream.linear.gather [hbm4b:s3+s2], $0x1B00, $0x38;
	[tilespmem:$0x14420] =	vst v63  }
0x14: {  	_ = 	snop  }
0x15: {  	[tilespmem:s15], [sflag:$0x1] =	stream.linear.gather [hbm4b:s4+s2], $0x1B00, $0x38;
	[tilespmem:$0x14420] =	vst v63  }
0x16: {  	_ = 	snop  }
0x17: {  	[tilespmem:s16], [sflag:$0x4] =	stream.linear.gather [hbm4b:s5+s2], $0x3600, $0x38;
	[tilespmem:$0x14420] =	vst v63  }
0x18: {  	_ = 	snop  }
0x19: {  	[tilespmem:s17], [sflag:$0x2] =	stream.linear.gather [hbm4b:s6+s2], $0x1B00, $0x38;
	[tilespmem:$0x14420] =	vst v63  }
0x1a: {  	_ = 	snop  }
0x1b: {  	[tilespmem:s18], [sflag:$0x2] =	stream.linear.gather [hbm4b:s7+s2], $0x1B00, $0x38;
	[tilespmem:$0x14420] =	vst v63  }
0x1c: {  	_ = 	snop  }
0x1d: {  	[tilespmem:s19], [sflag:$0x4] =	stream.linear.gather [hbm4b:s8+s2], $0x3600, $0x38;
	[tilespmem:$0x14420] =	vst v63  }
0x1e: {  	_ = 	snop  }
0x1f: {  	[tilespmem:s20], [sflag:$0x3] =	stream.linear.gather [hbm4b:s9+s2], $0x1B00, $0x38;
	[tilespmem:$0x14420] =	vst v63  }
0x20: {  	_ = 	snop  }
0x21: {  	[tilespmem:s21], [sflag:$0x3] =	stream.linear.gather [hbm4b:s10+s2], $0x1B00, $0x38;
	[tilespmem:$0x14420] =	vst v63  }
0x22: {  	_ = 	snop  }
0x23: {  	[tilespmem:s22], [sflag:$0x4] =	stream.linear.gather [hbm4b:s11+s2], $0x3600, $0x38;
	[tilespmem:$0x14420] =	vst v63  }
0x24: {  	_ =	swait.ge [sflag:s23], $0x1B00  }
0x25: {  	[sflag:s23] =	ssyncset.done $0x0  }
0x26: {  	[sflag:s23] =	ssyncadd.s32 $0xFFFFE500  }
0x27: {  	_ =	swait.ge [sflag:s23], $0x1B00  }
0x28: {  	[sflag:s23] =	ssyncset.done $0x0  }
0x29: {  	s0 =	simm.s32 $0x0;
	[sflag:s23] =	ssyncadd.s32 $0xFFFFE500  }
0x2a: {  	v0 =	vld [tilespmem:s0+$0x0]  }
0x2b: {  	v1 =	vld [tilespmem:s0+$0x5100]  }
0x2c: {  	v3 =	vld [tilespmem:s0+$0x10]  }
0x2d: {  	v4 =	vld [tilespmem:s0+$0x5110];
	_ =	sdelay $0x1  }
0x2e: {  	s1 =	simm.s32 $0x20  }
0x2f: {  	v2 =	vld [tilespmem:s1+$0x5100];
	v1 =	vsub.f32 v0, v1  }
0x30: {  	v0 =	vld [tilespmem:s1+$0x0]  }
0x31: {  	v6 =	vsub.f32 v3, v4;
	v3 =	vld [tilespmem:s1+$0x5110];
	v5 =	vmul.f32 v1, v1  }
0x32: {  	v4 =	vimm.f32 $0.0e+00;
	v1 =	vld [tilespmem:s1+$0x10]  }
0x33: {  	s0 =	simm.s32 $0x100;
	v4 =	vadd.f32 v5, v4;
	v5 =	vmul.f32 v6, v6  }
.LBB2_2:
0x34: {  	s1 =	sshra.s32 s0, $0x2;
	p0 =	sne.s32 s0, $0x6B80  }
.Ltmp0:
0x35: {  	s0 =	sadd.s32 $0x80, s0;
	v6 =	vsub.f32 v0, v2;
	v0 =	vld [tilespmem:s1+$0x0];
	v4 =	vadd.f32 v5, v4;
	(pc) =	sbr.rel @p0 .LBB2_2-.Ltmp0, $4  }
0x36: {  	v2 =	vld [tilespmem:s1+$0x5100]  }
0x37: {  	v5 =	vmul.f32 v6, v6;
	v6 =	vsub.f32 v1, v3;
	v1 =	vld [tilespmem:s1+$0x10]  }
0x38: {  	v3 =	vld [tilespmem:s1+$0x5110]  }
0x39: {  	v4 =	vadd.f32 v5, v4;
	v5 =	vmul.f32 v6, v6  }
0x3a: {  	_ =	swait.ge [sflag:s24], $0x1B00  }
0x3b: {  	[sflag:s24] =	ssyncset.done $0x0  }
0x3c: {  	[sflag:s24] =	ssyncadd.s32 $0xFFFFE500  }
0x3d: {  	_ =	swait.ge [sflag:s24], $0x1B00  }
0x3e: {  	[sflag:s24] =	ssyncset.done $0x0  }
0x3f: {  	s0 =	simm.s32 $0x0;
	[sflag:s24] =	ssyncadd.s32 $0xFFFFE500  }
0x40: {  	v6 =	vld [tilespmem:s0+$0x1B00]  }
0x41: {  	v0 =	vsub.f32 v0, v2;
	v7 =	vld [tilespmem:s0+$0x6C00]  }
0x42: {  	v8 =	vld [tilespmem:s0+$0x1B10]  }
0x43: {  	v2 =	vadd.f32 v5, v4;
	v1 =	vsub.f32 v1, v3;
	v0 =	vmul.f32 v0, v0;
	v9 =	vld [tilespmem:s0+$0x6C10];
	_ =	sdelay $0x1  }
0x44: {  	s1 =	simm.s32 $0x20;
	v2 =	vadd.f32 v0, v2;
	v1 =	vmul.f32 v1, v1  }
0x45: {  	v0 =	vld [tilespmem:s1+$0x1B00];
	v3 =	vsub.f32 v6, v7  }
0x46: {  	v4 =	vadd.f32 v1, v2;
	v2 =	vld [tilespmem:s1+$0x6C00]  }
0x47: {  	v1 =	vld [tilespmem:s1+$0x1B10];
	v6 =	vsub.f32 v8, v9;
	v5 =	vmul.f32 v3, v3  }
0x48: {  	v3 =	vld [tilespmem:s1+$0x6C10]  }
0x49: {  	s0 =	simm.s32 $0x100;
	v4 =	vadd.f32 v5, v4;
	v5 =	vmul.f32 v6, v6  }
.LBB2_4:
0x4a: {  	s1 =	sshra.s32 s0, $0x2;
	p0 =	sne.s32 s0, $0x6B80  }
.Ltmp1:
0x4b: {  	s0 =	sadd.s32 $0x80, s0;
	v6 =	vsub.f32 v0, v2;
	v0 =	vld [tilespmem:s1+$0x1B00];
	v4 =	vadd.f32 v5, v4;
	(pc) =	sbr.rel @p0 .LBB2_4-.Ltmp1, $4  }
0x4c: {  	v2 =	vld [tilespmem:s1+$0x6C00]  }
0x4d: {  	v5 =	vmul.f32 v6, v6;
	v6 =	vsub.f32 v1, v3;
	v1 =	vld [tilespmem:s1+$0x1B10]  }
0x4e: {  	v3 =	vld [tilespmem:s1+$0x6C10]  }
0x4f: {  	v4 =	vadd.f32 v5, v4;
	v5 =	vmul.f32 v6, v6  }
0x50: {  	_ =	swait.ge [sflag:s25], $0x1B00  }
0x51: {  	[sflag:s25] =	ssyncset.done $0x0  }
0x52: {  	[sflag:s25] =	ssyncadd.s32 $0xFFFFE500  }
0x53: {  	_ =	swait.ge [sflag:s25], $0x1B00  }
0x54: {  	[sflag:s25] =	ssyncset.done $0x0  }
0x55: {  	s0 =	simm.s32 $0x0;
	[sflag:s25] =	ssyncadd.s32 $0xFFFFE500  }
0x56: {  	v6 =	vld [tilespmem:s0+$0x3600]  }
0x57: {  	v0 =	vsub.f32 v0, v2;
	v7 =	vld [tilespmem:s0+$0x8700]  }
0x58: {  	v2 =	vld [tilespmem:s0+$0x3610]  }
0x59: {  	v4 =	vadd.f32 v5, v4;
	v1 =	vsub.f32 v1, v3;
	v0 =	vmul.f32 v0, v0;
	v8 =	vld [tilespmem:s0+$0x8710];
	_ =	sdelay $0x1  }
0x5a: {  	s1 =	simm.s32 $0x20;
	v3 =	vadd.f32 v0, v4;
	v1 =	vmul.f32 v1, v1  }
0x5b: {  	v0 =	vld [tilespmem:s1+$0x3600];
	v4 =	vsub.f32 v6, v7  }
0x5c: {  	v5 =	vadd.f32 v1, v3;
	v3 =	vld [tilespmem:s1+$0x8700]  }
0x5d: {  	v1 =	vld [tilespmem:s1+$0x3610];
	v6 =	vsub.f32 v2, v8;
	v4 =	vmul.f32 v4, v4  }
0x5e: {  	v2 =	vld [tilespmem:s1+$0x8710]  }
0x5f: {  	s0 =	simm.s32 $0x100;
	v4 =	vadd.f32 v4, v5;
	v5 =	vmul.f32 v6, v6  }
.LBB2_6:
0x60: {  	s1 =	sshra.s32 s0, $0x2;
	p0 =	sne.s32 s0, $0x6B80  }
.Ltmp2:
0x61: {  	s0 =	sadd.s32 $0x80, s0;
	v6 =	vsub.f32 v0, v3;
	v0 =	vld [tilespmem:s1+$0x3600];
	v4 =	vadd.f32 v5, v4;
	(pc) =	sbr.rel @p0 .LBB2_6-.Ltmp2, $4  }
0x62: {  	v3 =	vld [tilespmem:s1+$0x8700]  }
0x63: {  	v5 =	vmul.f32 v6, v6;
	v6 =	vsub.f32 v1, v2;
	v1 =	vld [tilespmem:s1+$0x3610]  }
0x64: {  	v2 =	vld [tilespmem:s1+$0x8710]  }
0x65: {  	v4 =	vadd.f32 v5, v4;
	v5 =	vmul.f32 v6, v6  }
0x66: {  	_ =	swait.ge [sflag:s26], $0x3600  }
0x67: {  	[sflag:s26] =	ssyncset.done $0x0  }
0x68: {  	[sflag:s26] =	ssyncadd.s32 $0xFFFFCA00  }
0x69: {  	_ =	swait.ge [sflag:s26], $0x3600  }
0x6a: {  	[sflag:s26] =	ssyncset.done $0x0  }
0x6b: {  	[sflag:s26] =	ssyncadd.s32 $0xFFFFCA00  }
0x6c: {  	_ =	swait.ge [sflag:s26], $0x3600  }
0x6d: {  	[sflag:s26] =	ssyncset.done $0x0  }
0x6e: {  	s0 =	simm.s32 $0x0;
	[sflag:s26] =	ssyncadd.s32 $0xFFFFCA00  }
0x6f: {  	v6 =	vld [tilespmem:s0+$0xD820]  }
0x70: {  	v7 =	vld [tilespmem:s0+$0x10E20]  }
0x71: {  	v8 =	vld [tilespmem:s0+$0xA220]  }
0x72: {  	v9 =	vld [tilespmem:s0+$0xA210]  }
0x73: {  	v10 =	vld [tilespmem:s0+$0xD810]  }
0x74: {  	v15 =	vld [tilespmem:s0+$0x10E10]  }
0x75: {  	v16 =	vld [tilespmem:s0+$0xA200]  }
0x76: {  	v17 =	vld [tilespmem:s0+$0xD800]  }
0x77: {  	v18 =	vld [tilespmem:s0+$0x10E00]  }
0x78: {  	v11 =	vld.idx.msk [tilespmem:v6+s20+$0x0], $0xffff  }
0x79: {  	v12 =	vld.idx.msk [tilespmem:v7+s20+$0x0], $0xffff  }
0x7a: {  	v13 =	vld.idx.msk [tilespmem:v6+s21+$0x0], $0xffff  }
0x7b: {  	v14 =	vld.idx.msk [tilespmem:v7+s21+$0x0], $0xffff  }
0x7c: {  	v19 =	vld.idx.msk [tilespmem:v8+s20+$0x0], $0xffff  }
0x7d: {  	v20 =	vld.idx.msk [tilespmem:v8+s21+$0x0], $0xffff  }
0x7e: {  	v21 =	vld.idx.msk [tilespmem:v9+s20+$0x0], $0xffff  }
0x7f: {  	v22 =	vld.idx.msk [tilespmem:v10+s20+$0x0], $0xffff  }
0x80: {  	v23 =	vld.idx.msk [tilespmem:v15+s20+$0x0], $0xffff  }
0x81: {  	v24 =	vld.idx.msk [tilespmem:v9+s21+$0x0], $0xffff  }
0x82: {  	v25 =	vld.idx.msk [tilespmem:v10+s21+$0x0], $0xffff  }
0x83: {  	v26 =	vld.idx.msk [tilespmem:v15+s21+$0x0], $0xffff  }
0x84: {  	v27 =	vld.idx.msk [tilespmem:v8+s2+$0x0], $0xffff  }
0x85: {  	v28 =	vld.idx.msk [tilespmem:v8+s17+$0x0], $0xffff  }
0x86: {  	v29 =	vld.idx.msk [tilespmem:v6+s2+$0x0], $0xffff  }
0x87: {  	v30 =	vld.idx.msk [tilespmem:v6+s17+$0x0], $0xffff  }
0x88: {  	v31 =	vld.idx.msk [tilespmem:v7+s2+$0x0], $0xffff  }
0x89: {  	v32 =	vld.idx.msk [tilespmem:v7+s17+$0x0], $0xffff  }
0x8a: {  	v33 =	vld.idx.msk [tilespmem:v8+s15+$0x0], $0xffff  }
0x8b: {  	v8 =	vld.idx.msk [tilespmem:v8+s18+$0x0], $0xffff  }
0x8c: {  	v34 =	vld.idx.msk [tilespmem:v6+s15+$0x0], $0xffff  }
0x8d: {  	v6 =	vld.idx.msk [tilespmem:v6+s18+$0x0], $0xffff  }
0x8e: {  	v0 =	vsub.f32 v0, v3;
	v35 =	vld.idx.msk [tilespmem:v7+s15+$0x0], $0xffff  }
0x8f: {  	v7 =	vld.idx.msk [tilespmem:v7+s18+$0x0], $0xffff  }
0x90: {  	v4 =	vadd.f32 v5, v4;
	v0 =	vmul.f32 v0, v0;
	v1 =	vsub.f32 v1, v2;
	v3 =	vld.idx.msk [tilespmem:v16+s20+$0x0], $0xffff  }
0x91: {  	v36 =	vld.idx.msk [tilespmem:v17+s20+$0x0], $0xffff  }
0x92: {  	v0 =	vadd.f32 v0, v4;
	v1 =	vmul.f32 v1, v1;
	v2 =	vld.idx.msk [tilespmem:v18+s20+$0x0], $0xffff  }
0x93: {  	v5 =	vld.idx.msk [tilespmem:v17+s21+$0x0], $0xffff  }
0x94: {  	v0 =	vadd.f32 v1, v0;
	v4 =	vld.idx.msk [tilespmem:v18+s21+$0x0], $0xffff  }
0x95: {  	v37 =	vld.idx.msk [tilespmem:v10+s2+$0x0], $0xffff;
	v38 =	vsub.f32 v11, v12;
	v40 =	vsub.f32 v13, v14  }
0x96: {  	v39 =	vld.idx.msk [tilespmem:v10+s17+$0x0], $0xffff;
	v42 =	vsub.f32 v22, v23;
	v43 =	vsub.f32 v25, v26  }
0x97: {  	v41 =	vld.idx.msk [tilespmem:v15+s2+$0x0], $0xffff;
	v11 =	vsub.f32 v19, v11;
	v13 =	vsub.f32 v20, v13  }
0x98: {  	v44 =	vld.idx.msk [tilespmem:v15+s17+$0x0], $0xffff;
	v12 =	vsub.f32 v19, v12;
	v14 =	vsub.f32 v20, v14  }
0x99: {  	v45 =	vld.idx.msk [tilespmem:v10+s15+$0x0], $0xffff;
	v19 =	vsub.f32 v29, v31;
	v46 =	vsub.f32 v30, v32  }
0x9a: {  	v10 =	vld.idx.msk [tilespmem:v10+s18+$0x0], $0xffff;
	v47 =	vsub.f32 v34, v35;
	v48 =	vsub.f32 v36, v2  }
0x9b: {  	v50 =	vld.idx.msk [tilespmem:v16+s21+$0x0], $0xffff;
	v49 =	vsub.f32 v6, v7;
	v51 =	vsub.f32 v5, v4  }
0x9c: {  	v52 =	vld.idx.msk [tilespmem:v17+s2+$0x0], $0xffff;
	v22 =	vsub.f32 v21, v22;
	v25 =	vsub.f32 v24, v25  }
0x9d: {  	v56 =	vld.idx.msk [tilespmem:v18+s17+$0x0], $0xffff;
	v53 =	vsub.f32 v21, v23;
	v26 =	vsub.f32 v24, v26  }
0x9e: {  	v58 =	vld.idx.msk [tilespmem:v17+s15+$0x0], $0xffff;
	v23 =	vsub.f32 v37, v41;
	v54 =	vsub.f32 v39, v44  }
0x9f: {  	v20 =	vld.idx.msk [tilespmem:v15+s15+$0x0], $0xffff;
	v29 =	vsub.f32 v27, v29;
	v30 =	vsub.f32 v28, v30  }
0xa0: {  	v15 =	vld.idx.msk [tilespmem:v15+s18+$0x0], $0xffff;
	v34 =	vsub.f32 v33, v34;
	v59 =	vsub.f32 v8, v6  }
0xa1: {  	v1 =	vimm.f32 $0.0e+00;
	v21 =	vld.idx.msk [tilespmem:v17+s17+$0x0], $0xffff;
	v27 =	vsub.f32 v27, v31;
	v28 =	vsub.f32 v28, v32  }
0xa2: {  	v24 =	vld.idx.msk [tilespmem:v18+s2+$0x0], $0xffff;
	v32 =	vsub.f32 v33, v35;
	v38 =	vmul.f32 v38, v38;
	v40 =	vmul.f32 v40, v40  }
0xa3: {  	v17 =	vld.idx.msk [tilespmem:v17+s18+$0x0], $0xffff;
	v33 =	vsub.f32 v3, v36;
	v42 =	vmul.f32 v42, v42;
	v43 =	vmul.f32 v43, v43  }
0xa4: {  	v31 =	vld.idx.msk [tilespmem:v18+s15+$0x0], $0xffff;
	v7 =	vsub.f32 v8, v7;
	v11 =	vmul.f32 v11, v11;
	v13 =	vmul.f32 v13, v13  }
0xa5: {  	v18 =	vld.idx.msk [tilespmem:v18+s18+$0x0], $0xffff;
	v36 =	vsub.f32 v50, v5;
	v12 =	vmul.f32 v12, v12;
	v61 =	vmul.f32 v14, v14  }
0xa6: {  	v35 =	vld.idx.msk [tilespmem:v9+s2+$0x0], $0xffff;
	v8 =	vsub.f32 v3, v2;
	v27 =	vmul.f32 v27, v27;
	v28 =	vmul.f32 v28, v28  }
0xa7: {  	v2 =	vld.idx.msk [tilespmem:v9+s17+$0x0], $0xffff;
	v6 =	vsub.f32 v50, v4;
	v19 =	vmul.f32 v19, v19;
	v48 =	vmul.f32 v48, v48  }
0xa8: {  	v4 =	vld.idx.msk [tilespmem:v9+s15+$0x0], $0xffff;
	v23 =	vmul.f32 v23, v23;
	v29 =	vmul.f32 v29, v29;
	v27 =	vadd.f32 v28, v27  }
0xa9: {  	v9 =	vld.idx.msk [tilespmem:v9+s18+$0x0], $0xffff;
	v32 =	vmul.f32 v32, v32;
	v55 =	vsub.f32 v45, v20;
	v57 =	vsub.f32 v10, v15  }
0xaa: {  	v7 =	vmul.f32 v7, v7;
	v3 =	vsub.f32 v52, v24;
	v5 =	vsub.f32 v21, v56  }
0xab: {  	v22 =	vmul.f32 v22, v22;
	v50 =	vsub.f32 v58, v31;
	v60 =	vsub.f32 v17, v18  }
0xac: {  	v37 =	vsub.f32 v35, v37;
	v14 =	vsub.f32 v2, v39;
	v39 =	vmul.f32 v46, v46  }
0xad: {  	v45 =	vsub.f32 v4, v45;
	v46 =	vmul.f32 v47, v47;
	v47 =	vmul.f32 v49, v49  }
0xae: {  	v62 =	vld.idx.msk [tilespmem:v16+s17+$0x0], $0xffff;
	v10 =	vsub.f32 v9, v10;
	v35 =	vsub.f32 v35, v41;
	v41 =	vmul.f32 v54, v54  }
0xaf: {  	v4 =	vsub.f32 v4, v20;
	v20 =	vmul.f32 v30, v30;
	v30 =	vmul.f32 v34, v34  }
0xb0: {  	v9 =	vsub.f32 v9, v15;
	v15 =	vmul.f32 v59, v59;
	v54 =	vmul.f32 v55, v55  }
0xb1: {  	v2 =	vsub.f32 v2, v44;
	v44 =	vmul.f32 v57, v57;
	v3 =	vmul.f32 v3, v3  }
0xb2: {  	v28 =	vadd.f32 v7, v32;
	v5 =	vmul.f32 v5, v5;
	v50 =	vmul.f32 v50, v50  }
0xb3: {  	v49 =	vld.idx.msk [tilespmem:v16+s2+$0x0], $0xffff;
	v21 =	vsub.f32 v62, v21;
	v63 =	vmul.f32 v60, v60;
	v37 =	vmul.f32 v37, v37  }
0xb4: {  	v55 =	vld.idx.msk [tilespmem:v16+s15+$0x0], $0xffff;
	v14 =	vmul.f32 v14, v14;
	v45 =	vmul.f32 v45, v45;
	v39 =	vadd.f32 v39, v19  }
0xb5: {  	v16 =	vld.idx.msk [tilespmem:v16+s18+$0x0], $0xffff;
	v10 =	vmul.f32 v10, v10;
	v46 =	vadd.f32 v47, v46;
	v41 =	vadd.f32 v41, v23  }
0xb6: {  	v35 =	vmul.f32 v35, v35;
	v29 =	vadd.f32 v20, v29;
	v30 =	vadd.f32 v15, v30  }
0xb7: {  	v2 =	vmul.f32 v2, v2;
	v44 =	vadd.f32 v44, v54;
	v63 =	vadd.f32 v63, v50  }
0xb8: {  	v59 =	vmul.f32 v21, v21;
	v19 =	vadd.f32 v14, v37;
	v21 =	vadd.f32 v10, v45  }
0xb9: {  	v4 =	vmul.f32 v4, v4;
	v34 =	vsub.f32 v49, v52;
	v24 =	vsub.f32 v49, v24  }
0xba: {  	v9 =	vmul.f32 v9, v9;
	v52 =	vsub.f32 v55, v58;
	v17 =	vsub.f32 v16, v17  }
0xbb: {  	v58 =	vsub.f32 v62, v56;
	v31 =	vsub.f32 v55, v31;
	v34 =	vmul.f32 v34, v34  }
0xbc: {  	v16 =	vsub.f32 v16, v18;
	v20 =	vmul.f32 v24, v24;
	v62 =	vadd.f32 v5, v3  }
0xbd: {  	v18 =	vadd.f32 v9, v4;
	v60 =	vmul.f32 v52, v52;
	v17 =	vmul.f32 v17, v17  }
0xbe: {  	v4 =	vadd.f32 v42, v41;
	v7 =	vmul.f32 v58, v58;
	v3 =	vmul.f32 v31, v31  }
0xbf: {  	v5 =	vmul.f32 v16, v16;
	v16 =	vadd.f32 v2, v35;
	v14 =	vadd.f32 v59, v34  }
0xc0: {  	v23 =	vmul.f32 v25, v25;
	v2 =	vadd.f32 v38, v39;
	v15 =	vadd.f32 v17, v60  }
0xc1: {  	v25 =	vmul.f32 v26, v26;
	v10 =	vadd.f32 v7, v20;
	v9 =	vadd.f32 v5, v3  }
0xc2: {  	v26 =	vmul.f32 v33, v33;
	v3 =	vadd.f32 v40, v46;
	v20 =	vadd.f32 v43, v44  }
0xc3: {  	v31 =	vmul.f32 v51, v51;
	v7 =	vadd.f32 v11, v29;
	v17 =	vadd.f32 v13, v30  }
0xc4: {  	v24 =	vmul.f32 v53, v53;
	v5 =	vadd.f32 v12, v27;
	v12 =	vadd.f32 v61, v28  }
0xc5: {  	s1 =	simm.s32 $0xC0;
	[tilespmem:$0x1FFF0] =	vst v0;
	v28 =	vmul.f32 v36, v36;
	v11 =	vadd.f32 v48, v62;
	v13 =	vadd.f32 v31, v63  }
.LBB2_8:
0xc6: {  	p0 =	sne.s32 s1, $0xD680;
	v8 =	vmul.f32 v8, v8;
	v31 =	vadd.f32 v22, v19;
	v39 =	vadd.f32 v23, v21  }
0xc7: {  	s0 =	sshra.s32 s1, $0x2;
	v6 =	vmul.f32 v6, v6;
	v32 =	vadd.f32 v24, v16;
	v38 =	vadd.f32 v25, v18  }
0xc8: {  	v26 =	vadd.f32 v26, v14;
	v14 =	vmul.f32 v3, v2;
	v28 =	vadd.f32 v28, v15;
	v27 =	vld [tilespmem:s0+$0xD820]  }
0xc9: {  	v15 =	vmul.f32 v17, v7;
	v25 =	vadd.f32 v8, v10;
	v8 =	vmul.f32 v20, v4;
	v24 =	vld [tilespmem:s0+$0x10E20]  }
0xca: {  	v30 =	vadd.f32 v6, v9;
	v6 =	vmul.f32 v13, v11;
	v9 =	vmul.f32 v12, v5  }
0xcb: {  	v19 =	vmul.f32 v39, v31;
	v21 =	vmul.f32 v38, v32  }
0xcc: {  	v33 =	vshrl.u32 v14, $0x1;
	v22 =	vmul.f32 v28, v26;
	v29 =	vmul.f32 v30, v25  }
0xcd: {  	v14 =	vmul.f32 $5.000000000e-01, v14;
	v34 =	vshrl.u32 v8, $0x1;
	v8 =	vmul.f32 $5.000000000e-01, v8;
	v43 =	vld [tilespmem:s0+$0xA220]  }
0xce: {  	v35 =	vshrl.u32 v15, $0x1;
	v15 =	vmul.f32 $5.000000000e-01, v15;
	v36 =	vshrl.u32 v9, $0x1;
	v10 =	vld [tilespmem:s0+$0xA210]  }
0xcf: {  	v37 =	vshrl.u32 v6, $0x1;
	v6 =	vmul.f32 $5.000000000e-01, v6;
	v40 =	vmul.f32 $5.000000000e-01, v9;
	v16 =	vld [tilespmem:s0+$0xD810]  }
0xd0: {  	v9 =	vshrl.u32 v19, $0x1;
	v41 =	vmul.f32 $5.000000000e-01, v19;
	v42 =	vshrl.u32 v21, $0x1;
	v18 =	vld.idx.msk [tilespmem:v27+s20+$0x0], $0xffff  }
0xd1: {  	v46 =	vmul.f32 $5.000000000e-01, v21;
	v44 =	vshrl.u32 v22, $0x1;
	v45 =	vmul.f32 $5.000000000e-01, v22;
	v19 =	vld.idx.msk [tilespmem:v24+s20+$0x0], $0xffff  }
0xd2: {  	v33 =	vsub.s32 $0x5F3759DF, v33;
	v47 =	vshrl.u32 v29, $0x1;
	v29 =	vmul.f32 $5.000000000e-01, v29;
	v23 =	vld.idx.msk [tilespmem:v27+s21+$0x0], $0xffff  }
0xd3: {  	v49 =	vsub.s32 $0x5F3759DF, v35;
	v48 =	vsub.s32 $0x5F3759DF, v34;
	v36 =	vsub.s32 $0x5F3759DF, v36;
	v21 =	vld.idx.msk [tilespmem:v24+s21+$0x0], $0xffff  }
0xd4: {  	v35 =	vmul.f32 v33, v14;
	v50 =	vsub.s32 $0x5F3759DF, v37;
	v51 =	vsub.s32 $0x5F3759DF, v9;
	v22 =	vld [tilespmem:s0+$0x10E10]  }
0xd5: {  	v52 =	vsub.s32 $0x5F3759DF, v42;
	v53 =	vmul.f32 v49, v15;
	v42 =	vmul.f32 v48, v8;
	v9 =	vld [tilespmem:s0+$0xA200]  }
0xd6: {  	v44 =	vsub.s32 $0x5F3759DF, v44;
	v54 =	vmul.f32 v50, v6;
	v40 =	vmul.f32 v36, v40;
	v8 =	vld [tilespmem:s0+$0xD800]  }
0xd7: {  	v41 =	vmul.f32 v51, v41;
	v46 =	vmul.f32 v52, v46;
	v47 =	vsub.s32 $0x5F3759DF, v47;
	v6 =	vld [tilespmem:s0+$0x10E00]  }
0xd8: {  	v45 =	vmul.f32 v44, v45;
	v55 =	vmul.f32 v47, v29;
	v14 =	vsub.f32 v18, v19;
	v34 =	vld.idx.msk [tilespmem:v43+s20+$0x0], $0xffff  }
0xd9: {  	v35 =	vmul.f32 v33, v35;
	v42 =	vmul.f32 v48, v42;
	v15 =	vsub.f32 v23, v21;
	v37 =	vld.idx.msk [tilespmem:v43+s21+$0x0], $0xffff  }
0xda: {  	vm0 =	veq.f32 v4, v20;
	v53 =	vmul.f32 v49, v53;
	v40 =	vmul.f32 v36, v40;
	v29 =	vld.idx.msk [tilespmem:v10+s20+$0x0], $0xffff  }
0xdb: {  	vm1 =	veq.f32 v7, v17;
	v54 =	vmul.f32 v50, v54;
	v41 =	vmul.f32 v51, v41;
	v20 =	vld.idx.msk [tilespmem:v16+s20+$0x0], $0xffff  }
0xdc: {  	v46 =	vmul.f32 v52, v46;
	v56 =	vsub.f32 $1.500000000e+00, v35;
	v42 =	vsub.f32 $1.500000000e+00, v42;
	v17 =	vld.idx.msk [tilespmem:v22+s20+$0x0], $0xffff  }
0xdd: {  	v45 =	vmul.f32 v44, v45;
	v53 =	vsub.f32 $1.500000000e+00, v53;
	v57 =	vsub.f32 $1.500000000e+00, v40;
	v35 =	vld.idx.msk [tilespmem:v10+s21+$0x0], $0xffff  }
0xde: {  	v55 =	vmul.f32 v47, v55;
	v54 =	vsub.f32 $1.500000000e+00, v54;
	v58 =	vsub.f32 $1.500000000e+00, v41;
	v40 =	vld.idx.msk [tilespmem:v16+s21+$0x0], $0xffff  }
0xdf: {  	v46 =	vsub.f32 $1.500000000e+00, v46;
	v56 =	vmul.f32 v33, v56;
	v48 =	vmul.f32 v48, v42;
	v41 =	vld.idx.msk [tilespmem:v22+s21+$0x0], $0xffff  }
0xe0: {  	v45 =	vsub.f32 $1.500000000e+00, v45;
	v49 =	vmul.f32 v49, v53;
	v53 =	vmul.f32 v36, v57;
	v33 =	vld.idx.msk [tilespmem:v43+s2+$0x0], $0xffff  }
0xe1: {  	v55 =	vsub.f32 $1.500000000e+00, v55;
	v50 =	vmul.f32 v50, v54;
	v51 =	vmul.f32 v51, v58;
	v36 =	vld.idx.msk [tilespmem:v43+s17+$0x0], $0xffff  }
0xe2: {  	vm2 =	veq.f32 v5, v12;
	v44 =	vmul.f32 v44, v45;
	v45 =	vmul.f32 v52, v46;
	v42 =	vld.idx.msk [tilespmem:v27+s2+$0x0], $0xffff  }
0xe3: {  	vm3 =	veq.f32 v11, v13;
	v46 =	vmul.f32 v47, v55;
	v47 =	vmul.f32 v56, v2;
	v12 =	vld.idx.msk [tilespmem:v27+s17+$0x0], $0xffff  }
0xe4: {  	vm4 =	veq.f32 v31, v39;
	v7 =	vmul.f32 v49, v7;
	v4 =	vmul.f32 v48, v4;
	v13 =	vld.idx.msk [tilespmem:v24+s2+$0x0], $0xffff  }
0xe5: {  	vm5 =	veq.f32 v32, v38;
	v11 =	vmul.f32 v50, v11;
	v5 =	vmul.f32 v53, v5;
	v39 =	vld.idx.msk [tilespmem:v24+s17+$0x0], $0xffff  }
0xe6: {  	v31 =	vmul.f32 v51, v31;
	v32 =	vmul.f32 v45, v32;
	v45 =	vadd.f32 $-1.000000000e+00, v47;
	v38 =	vld.idx.msk [tilespmem:v43+s15+$0x0], $0xffff  }
0xe7: {  	v44 =	vmul.f32 v44, v26;
	v7 =	vadd.f32 $-1.000000000e+00, v7;
	v4 =	vadd.f32 $-1.000000000e+00, v4;
	v43 =	vld.idx.msk [tilespmem:v43+s18+$0x0], $0xffff  }
0xe8: {  	v46 =	vmul.f32 v46, v25;
	v11 =	vadd.f32 $-1.000000000e+00, v11;
	v5 =	vadd.f32 $-1.000000000e+00, v5;
	v47 =	vld.idx.msk [tilespmem:v27+s15+$0x0], $0xffff  }
0xe9: {  	vm6 =	veq.f32 v26, v28;
	v26 =	vadd.f32 $-1.000000000e+00, v31;
	v28 =	vadd.f32 $-1.000000000e+00, v32;
	v27 =	vld.idx.msk [tilespmem:v27+s18+$0x0], $0xffff  }
0xea: {  	vm7 =	veq.f32 v25, v30;
	v32 =	vadd.f32 $-1.000000000e+00, v44;
	v25 =	vadd.f32 $-1.000000000e+00, v46;
	v31 =	vld.idx.msk [tilespmem:v24+s15+$0x0], $0xffff  }
0xeb: {  	v7 =	vand.u32 $0x7FFFFFFF, v7;
	v4 =	vand.u32 $0x7FFFFFFF, v4;
	v5 =	vand.u32 $0x7FFFFFFF, v5;
	v24 =	vld.idx.msk [tilespmem:v24+s18+$0x0], $0xffff  }
0xec: {  	v11 =	vand.u32 $0x7FFFFFFF, v11;
	v32 =	vand.u32 $0x7FFFFFFF, v32;
	v25 =	vand.u32 $0x7FFFFFFF, v25;
	v30 =	vld.idx.msk [tilespmem:v9+s20+$0x0], $0xffff  }
0xed: {  	v26 =	vand.u32 $0x7FFFFFFF, v26;
	v32 =	vsel vm6, $0x0, v32;
	v25 =	vsel vm7, $0x0, v25;
	v44 =	vld.idx.msk [tilespmem:v8+s20+$0x0], $0xffff  }
0xee: {  	v7 =	vsel vm1, $0x0, v7;
	v28 =	vand.u32 $0x7FFFFFFF, v28;
	v25 =	vadd.f32 v25, v32;
	v46 =	vld.idx.msk [tilespmem:v6+s20+$0x0], $0xffff  }
0xef: {  	v11 =	vsel vm3, $0x0, v11;
	v26 =	vsel vm4, $0x0, v26;
	v28 =	vsel vm5, $0x0, v28;
	v32 =	vld.idx.msk [tilespmem:v8+s21+$0x0], $0xffff  }
0xf0: {  	v5 =	vsel vm2, $0x0, v5;
	v11 =	vadd.f32 v25, v11;
	v25 =	vadd.f32 v28, v26;
	v48 =	vld.idx.msk [tilespmem:v6+s21+$0x0], $0xffff  }
0xf1: {  	v4 =	vsel vm0, $0x0, v4;
	vm0 =	veq.f32 v2, v3;
	v5 =	vadd.f32 v5, v7;
	v26 =	vld.idx.msk [tilespmem:v16+s2+$0x0], $0xffff  }
0xf2: {  	v3 =	vand.u32 $0x7FFFFFFF, v45;
	v1 =	vadd.f32 v11, v1;
	v2 =	vadd.f32 v25, v4;
	v28 =	vld.idx.msk [tilespmem:v16+s17+$0x0], $0xffff  }
0xf3: {  	v3 =	vsel vm0, $0x0, v3;
	v45 =	vsub.f32 v20, v17;
	v49 =	vsub.f32 v40, v41;
	v25 =	vld.idx.msk [tilespmem:v22+s2+$0x0], $0xffff  }
0xf4: {  	v1 =	vadd.f32 v2, v1;
	v2 =	vadd.f32 v5, v3;
	v50 =	vld.idx.msk [tilespmem:v22+s17+$0x0], $0xffff  }
0xf5: {  	v18 =	vsub.f32 v34, v18;
	v23 =	vsub.f32 v37, v23;
	v51 =	vld.idx.msk [tilespmem:v16+s15+$0x0], $0xffff  }
0xf6: {  	v19 =	vsub.f32 v34, v19;
	v1 =	vadd.f32 v2, v1;
	v16 =	vld.idx.msk [tilespmem:v16+s18+$0x0], $0xffff  }
0xf7: {  	v21 =	vsub.f32 v37, v21;
	v37 =	vsub.f32 v42, v13;
	v34 =	vld.idx.msk [tilespmem:v22+s15+$0x0], $0xffff  }
0xf8: {  	v52 =	vsub.f32 v12, v39;
	v53 =	vsub.f32 v47, v31;
	v22 =	vld.idx.msk [tilespmem:v22+s18+$0x0], $0xffff  }
0xf9: {  	v56 =	vsub.f32 v27, v24;
	v55 =	vsub.f32 v44, v46;
	v54 =	vld.idx.msk [tilespmem:v9+s21+$0x0], $0xffff  }
0xfa: {  	v2 =	vsub.f32 v29, v20;
	v7 =	vsub.f32 v32, v48;
	v57 =	vld.idx.msk [tilespmem:v8+s2+$0x0], $0xffff  }
0xfb: {  	v4 =	vsub.f32 v29, v17;
	v3 =	vsub.f32 v35, v40;
	v20 =	vld.idx.msk [tilespmem:v8+s17+$0x0], $0xffff  }
0xfc: {  	v5 =	vsub.f32 v35, v41;
	v29 =	vsub.f32 v26, v25;
	v17 =	vld.idx.msk [tilespmem:v6+s2+$0x0], $0xffff  }
0xfd: {  	v40 =	vsub.f32 v28, v50;
	v41 =	vsub.f32 v51, v34;
	v35 =	vld.idx.msk [tilespmem:v6+s17+$0x0], $0xffff  }
0xfe: {  	v42 =	vsub.f32 v33, v42;
	v59 =	vsub.f32 v16, v22;
	v58 =	vld.idx.msk [tilespmem:v8+s15+$0x0], $0xffff  }
0xff: {  	v12 =	vsub.f32 v36, v12;
	v47 =	vsub.f32 v38, v47;
	v60 =	vld.idx.msk [tilespmem:v8+s18+$0x0], $0xffff  }
0x100: {  	v33 =	vsub.f32 v33, v13;
	v27 =	vsub.f32 v43, v27;
	v61 =	vld.idx.msk [tilespmem:v6+s15+$0x0], $0xffff  }
0x101: {  	v36 =	vsub.f32 v36, v39;
	v31 =	vsub.f32 v38, v31;
	v62 =	vld.idx.msk [tilespmem:v6+s18+$0x0], $0xffff  }
0x102: {  	v24 =	vsub.f32 v43, v24;
	v11 =	vsub.f32 v30, v44;
	v38 =	vld.idx.msk [tilespmem:v10+s2+$0x0], $0xffff  }
0x103: {  	v13 =	vsub.f32 v54, v32;
	v8 =	vsub.f32 v30, v46;
	v30 =	vld.idx.msk [tilespmem:v10+s17+$0x0], $0xffff  }
0x104: {  	v6 =	vsub.f32 v54, v48;
	v32 =	vsub.f32 v57, v17;
	v39 =	vld.idx.msk [tilespmem:v10+s15+$0x0], $0xffff  }
0x105: {  	v44 =	vmul.f32 v14, v14;
	v46 =	vmul.f32 v15, v15;
	v43 =	vsub.f32 v20, v35;
	v10 =	vld.idx.msk [tilespmem:v10+s18+$0x0], $0xffff  }
0x106: {  	v45 =	vmul.f32 v45, v45;
	v48 =	vmul.f32 v49, v49;
	v14 =	vsub.f32 v58, v61  }
0x107: {  	v49 =	vmul.f32 v18, v18;
	v54 =	vmul.f32 v23, v23;
	v15 =	vsub.f32 v60, v62  }
0x108: {  	v63 =	vmul.f32 v19, v19;
	v0 =	vmul.f32 v21, v21;
	v18 =	vsub.f32 v38, v26  }
0x109: {  	v21 =	vmul.f32 v37, v37;
	v23 =	vmul.f32 v52, v52;
	v19 =	vsub.f32 v30, v28  }
0x10a: {  	v37 =	vmul.f32 v53, v53;
	v28 =	vsub.f32 v39, v51;
	v51 =	vmul.f32 v56, v56;
	v26 =	vld.idx.msk [tilespmem:v9+s2+$0x0], $0xffff  }
0x10b: {  	v53 =	vmul.f32 v55, v55;
	v29 =	vmul.f32 v29, v29;
	v16 =	vsub.f32 v10, v16;
	v52 =	vld.idx.msk [tilespmem:v9+s17+$0x0], $0xffff  }
0x10c: {  	v25 =	vsub.f32 v38, v25;
	v38 =	vmul.f32 v40, v40;
	v40 =	vmul.f32 v41, v41;
	v55 =	vld.idx.msk [tilespmem:v9+s15+$0x0], $0xffff  }
0x10d: {  	v42 =	vmul.f32 v42, v42;
	v41 =	vmul.f32 v59, v59;
	v30 =	vsub.f32 v30, v50;
	v9 =	vld.idx.msk [tilespmem:v9+s18+$0x0], $0xffff  }
0x10e: {  	v12 =	vmul.f32 v12, v12;
	v34 =	vsub.f32 v39, v34;
	v39 =	vmul.f32 v47, v47  }
0x10f: {  	v10 =	vsub.f32 v10, v22;
	v22 =	vmul.f32 v27, v27;
	v27 =	vmul.f32 v33, v33  }
0x110: {  	v36 =	vmul.f32 v36, v36;
	v31 =	vmul.f32 v31, v31;
	v33 =	vsub.f32 v26, v57  }
0x111: {  	v24 =	vmul.f32 v24, v24;
	v32 =	vmul.f32 v32, v32;
	v20 =	vsub.f32 v52, v20  }
0x112: {  	v43 =	vmul.f32 v43, v43;
	v14 =	vmul.f32 v14, v14;
	v47 =	vsub.f32 v55, v58  }
0x113: {  	v15 =	vmul.f32 v15, v15;
	v18 =	vmul.f32 v18, v18;
	v50 =	vsub.f32 v9, v60  }
0x114: {  	v19 =	vmul.f32 v19, v19;
	v17 =	vsub.f32 v26, v17;
	v26 =	vmul.f32 v28, v28  }
0x115: {  	v25 =	vmul.f32 v25, v25;
	v16 =	vmul.f32 v16, v16;
	v28 =	vsub.f32 v52, v35  }
0x116: {  	v30 =	vmul.f32 v30, v30;
	v34 =	vmul.f32 v34, v34;
	v35 =	vsub.f32 v55, v61  }
0x117: {  	v10 =	vmul.f32 v10, v10;
	v33 =	vmul.f32 v33, v33;
	v9 =	vsub.f32 v9, v62  }
0x118: {  	v37 =	vadd.f32 v51, v37;
	v52 =	vadd.f32 v23, v21;
	v20 =	vmul.f32 v20, v20  }
0x119: {  	v29 =	vadd.f32 v38, v29;
	v38 =	vadd.f32 v41, v40;
	v23 =	vmul.f32 v47, v47  }
0x11a: {  	v12 =	vadd.f32 v12, v42;
	v39 =	vadd.f32 v22, v39;
	v40 =	vmul.f32 v50, v50  }
0x11b: {  	v31 =	vadd.f32 v24, v31;
	v27 =	vadd.f32 v36, v27;
	v17 =	vmul.f32 v17, v17  }
0x11c: {  	v32 =	vadd.f32 v43, v32;
	v36 =	vadd.f32 v15, v14;
	v22 =	vmul.f32 v28, v28  }
0x11d: {  	v19 =	vadd.f32 v19, v18;
	v21 =	vadd.f32 v16, v26;
	v24 =	vmul.f32 v35, v35  }
0x11e: {  	v18 =	vadd.f32 v10, v34;
	v16 =	vadd.f32 v30, v25;
	v9 =	vmul.f32 v9, v9  }
0x11f: {  	v30 =	vmul.f32 v7, v7;
	v14 =	vadd.f32 v20, v33;
	v15 =	vadd.f32 v40, v23  }
0x120: {  	v10 =	vadd.f32 v22, v17;
	v22 =	vmul.f32 v2, v2;
	v9 =	vadd.f32 v9, v24  }
.Ltmp3:
0x121: {  	v2 =	vadd.f32 v44, v52;
	v23 =	vmul.f32 v3, v3;
	v3 =	vadd.f32 v46, v37;
	(pc) =	sbr.rel @p0 .LBB2_8-.Ltmp3, $4  }
0x122: {  	v20 =	vadd.f32 v48, v38;
	v24 =	vmul.f32 v4, v4;
	v4 =	vadd.f32 v45, v29  }
0x123: {  	v25 =	vmul.f32 v5, v5;
	v7 =	vadd.f32 v49, v12;
	v17 =	vadd.f32 v54, v39  }
0x124: {  	v26 =	vmul.f32 v11, v11;
	v5 =	vadd.f32 v63, v27;
	v12 =	vadd.f32 v0, v31  }
0x125: {  	s1 =	sadd.s32 $0xC0, s1;
	v11 =	vadd.f32 v53, v32;
	v28 =	vmul.f32 v13, v13;
	v13 =	vadd.f32 v30, v36  }
0x126: {  	v0 =	vmul.f32 v8, v8;
	v62 =	vadd.f32 v22, v19;
	v63 =	vadd.f32 v23, v21  }
0x127: {  	v6 =	vmul.f32 v6, v6;
	v16 =	vadd.f32 v24, v16;
	v18 =	vadd.f32 v25, v18  }
0x128: {  	v14 =	vadd.f32 v26, v14;
	v35 =	vmul.f32 v3, v2;
	v36 =	vmul.f32 v20, v4  }
0x129: {  	v37 =	vmul.f32 v17, v7;
	v39 =	vmul.f32 v12, v5;
	vm0 =	veq.f32 v4, v20  }
0x12a: {  	v15 =	vadd.f32 v28, v15;
	v38 =	vmul.f32 v13, v11;
	v0 =	vadd.f32 v0, v10  }
0x12b: {  	v6 =	vadd.f32 v6, v9;
	v40 =	vmul.f32 v63, v62;
	v25 =	vmul.f32 v18, v16  }
0x12c: {  	v41 =	vshrl.u32 v35, $0x1;
	v29 =	vshrl.u32 v36, $0x1;
	v10 =	vmul.f32 $5.000000000e-01, v36  }
0x12d: {  	v21 =	vmul.f32 $5.000000000e-01, v35;
	v30 =	vshrl.u32 v37, $0x1;
	v22 =	vmul.f32 $5.000000000e-01, v37  }
0x12e: {  	v31 =	vshrl.u32 v39, $0x1;
	v23 =	vmul.f32 $5.000000000e-01, v39;
	v26 =	vmul.f32 v15, v14  }
0x12f: {  	v32 =	vshrl.u32 v38, $0x1;
	v9 =	vmul.f32 $5.000000000e-01, v38;
	v28 =	vsub.s32 $0x5F3759DF, v41  }
0x130: {  	v29 =	vsub.s32 $0x5F3759DF, v29;
	v30 =	vsub.s32 $0x5F3759DF, v30;
	v31 =	vsub.s32 $0x5F3759DF, v31  }
0x131: {  	v27 =	vmul.f32 v6, v0;
	v33 =	vshrl.u32 v40, $0x1;
	v24 =	vmul.f32 $5.000000000e-01, v40  }
0x132: {  	v34 =	vshrl.u32 v25, $0x1;
	v25 =	vmul.f32 $5.000000000e-01, v25;
	v21 =	vmul.f32 v28, v21  }
0x133: {  	v32 =	vsub.s32 $0x5F3759DF, v32;
	v10 =	vmul.f32 v29, v10;
	v22 =	vmul.f32 v30, v22  }
0x134: {  	v23 =	vmul.f32 v31, v23;
	v35 =	vshrl.u32 v26, $0x1;
	v26 =	vmul.f32 $5.000000000e-01, v26  }
0x135: {  	v33 =	vsub.s32 $0x5F3759DF, v33;
	v34 =	vsub.s32 $0x5F3759DF, v34;
	v9 =	vmul.f32 v32, v9  }
0x136: {  	v36 =	vshrl.u32 v27, $0x1;
	v27 =	vmul.f32 $5.000000000e-01, v27;
	v24 =	vmul.f32 v33, v24  }
0x137: {  	vm1 =	veq.f32 v7, v17;
	v25 =	vmul.f32 v34, v25;
	v10 =	vmul.f32 v29, v10  }
0x138: {  	v35 =	vsub.s32 $0x5F3759DF, v35;
	v21 =	vmul.f32 v28, v21;
	v42 =	vmul.f32 v30, v22  }
0x139: {  	v43 =	vmul.f32 v31, v23;
	v36 =	vsub.s32 $0x5F3759DF, v36;
	v26 =	vmul.f32 v35, v26  }
0x13a: {  	vm2 =	veq.f32 v5, v12;
	v9 =	vmul.f32 v32, v9;
	v27 =	vmul.f32 v36, v27  }
0x13b: {  	v44 =	vmul.f32 v33, v24;
	v10 =	vsub.f32 $1.500000000e+00, v10;
	v21 =	vsub.f32 $1.500000000e+00, v21  }
0x13c: {  	v45 =	vmul.f32 v34, v25;
	v20 =	vsub.f32 $1.500000000e+00, v42;
	v22 =	vsub.f32 $1.500000000e+00, v43  }
0x13d: {  	v46 =	vmul.f32 v35, v26;
	v9 =	vsub.f32 $1.500000000e+00, v9;
	v47 =	vmul.f32 v36, v27  }
0x13e: {  	v23 =	vsub.f32 $1.500000000e+00, v44;
	v10 =	vmul.f32 v29, v10;
	v21 =	vmul.f32 v28, v21  }
0x13f: {  	v17 =	vsub.f32 $1.500000000e+00, v45;
	v20 =	vmul.f32 v30, v20;
	v22 =	vmul.f32 v31, v22  }
0x140: {  	vm3 =	veq.f32 v11, v13;
	v9 =	vmul.f32 v32, v9;
	v23 =	vmul.f32 v33, v23  }
0x141: {  	v24 =	vsub.f32 $1.500000000e+00, v46;
	v17 =	vmul.f32 v34, v17;
	v49 =	vmul.f32 v21, v2  }
0x142: {  	v25 =	vsub.f32 $1.500000000e+00, v47;
	v50 =	vmul.f32 v10, v4;
	v51 =	vmul.f32 v20, v7  }
0x143: {  	vm4 =	veq.f32 v62, v63;
	v52 =	vmul.f32 v22, v5;
	v24 =	vmul.f32 v35, v24  }
0x144: {  	vm5 =	veq.f32 v16, v18;
	v9 =	vmul.f32 v9, v11;
	v48 =	vmul.f32 v36, v25  }
0x145: {  	v8 =	vmul.f32 v23, v62;
	v54 =	vadd.f32 $-1.000000000e+00, v49;
	v4 =	vadd.f32 $-1.000000000e+00, v50  }
0x146: {  	v53 =	vmul.f32 v17, v16;
	v7 =	vadd.f32 $-1.000000000e+00, v51;
	v5 =	vadd.f32 $-1.000000000e+00, v52  }
0x147: {  	v55 =	vmul.f32 v24, v14;
	v9 =	vadd.f32 $-1.000000000e+00, v9;
	v12 =	vmul.f32 v48, v0  }
0x148: {  	vm6 =	veq.f32 v14, v15;
	v8 =	vadd.f32 $-1.000000000e+00, v8;
	v10 =	vadd.f32 $-1.000000000e+00, v53  }
0x149: {  	vm7 =	veq.f32 v0, v6;
	v13 =	vadd.f32 $-1.000000000e+00, v55;
	v56 =	vadd.f32 $-1.000000000e+00, v12  }
0x14a: {  	v4 =	vand.u32 $0x7FFFFFFF, v4;
	v57 =	vand.u32 $0x7FFFFFFF, v7;
	v5 =	vand.u32 $0x7FFFFFFF, v5  }
0x14b: {  	v9 =	vand.u32 $0x7FFFFFFF, v9;
	v58 =	vand.u32 $0x7FFFFFFF, v13;
	v0 =	vand.u32 $0x7FFFFFFF, v56  }
0x14c: {  	v6 =	vsel vm1, $0x0, v57;
	v7 =	vsel vm6, $0x0, v58;
	v0 =	vsel vm7, $0x0, v0  }
0x14d: {  	v8 =	vand.u32 $0x7FFFFFFF, v8;
	v59 =	vand.u32 $0x7FFFFFFF, v10;
	v0 =	vadd.f32 v0, v7  }
0x14e: {  	v9 =	vsel vm3, $0x0, v9;
	v8 =	vsel vm4, $0x0, v8;
	v7 =	vsel vm5, $0x0, v59  }
0x14f: {  	v5 =	vsel vm2, $0x0, v5;
	v7 =	vadd.f32 v7, v8;
	v0 =	vadd.f32 v0, v9  }
0x150: {  	vm15 =	veq.f32 v2, v3;
	v4 =	vsel vm0, $0x0, v4;
	v5 =	vadd.f32 v5, v6  }
0x151: {  	v63 =	vld [tilespmem:$0x1FFF0];
	v61 =	vand.u32 $0x7FFFFFFF, v54;
	v60 =	vadd.f32 v7, v4;
	v0 =	vadd.f32 v0, v1  }
0x152: {  	v2 =	vsel vm15, $0x0, v61  }
0x153: {  	v62 =	vadd.f32 v5, v2;
	v0 =	vadd.f32 v60, v0;
	_ =	sdelay $0x1  }
0x154: {  	v0 =	vadd.f32 v62, v0  }
0x155: {  	[tilespmem:$0x14410] =	vst v63  }
0x156: {  	[tilespmem:$0x14400] =	vst v0  }
0x157: {  	[hbm4b:s12+s2] =	stream.linear.scatter [tilespmem:s28], [sflag:$0x5], $0x10, $0x38;
	[tilespmem:$0x14420] =	vst v63  }
0x158: {  	s31 =	sadd.s32 $0x1, s31;
	_ =	swait.ge [sflag:s29], $0x10  }
0x159: {  	p0 =	sne.s32 s31, s14;
	[sflag:s29] =	ssyncset.done $0x0  }
.Ltmp4:
0x15a: {  	[sflag:s29] =	ssyncadd.s32 $0xFFFFFFF0;
	(pc) =	sbr.rel @p0 .LBB2_1-.Ltmp4, $4  }
0x15b: {  	[hbm4b:s13+s2] =	stream.linear.scatter [tilespmem:s30], [sflag:$0x5], $0x10, $0x38;
	[tilespmem:$0x14420] =	vst v63  }
0x15c: {  	_ =	swait.ge [sflag:s29], $0x10  }
0x15d: {  	[sflag:s29] =	ssyncset.done $0x0  }
0x15e: {  	[sflag:s29] =	ssyncadd.s32 $0xFFFFFFF0  }
0x15f: {  	_ =	sfence.sel $0x180000  }
0x160: {  	[bflag:$0x0] =	sbarrier.arrive $0xFFFF  }
0x161: {  	_ =	strace $0x90000047  }
0x162: {  	s0 =	stileid.u32;
	[bflag:$0x2] =	sbarrier.arrive $0xFFFF  }
0x163: {  	p0 =	sne.s32 s0, $0x0;
	s0 =	rddreg [dreg:$0x1]  }
0x164: {  	s0 =	sadd.s32 @!p0 $0x100000, s0  }
0x165: {  	[sflag:s0] =	ssyncadd.tile.s32 @!p0 $0x1;
	_ =	shalt  }
.Lfunc_end2:
_tile_overlayer_lowered:
.L_overlay_start_2:
0x166: {  	(tag) =	ssettag $0x2  }
0x167: {  	s0 =	rddreg [dreg:$0x0];
	s2 =	stileid.u32  }
0x168: {  	s1 =	rddreg [dreg:$0x1];
	p0 =	sne.s32 s2, $0x0  }
0x169: {  	s3 =	rddreg [dreg:$0x2];
	[bflag:$0x3] =	sbarrier.arrive $0xFFFF;
	s2 =	simm.s32 @!p0 $0x1C05  }
0x16a: {  	[timem:s3], [sflag:s2] =	dma.local @!p0 [hbm:s0], s1  }
0x16b: {  	s0 =	simm.s32 @!p0 $0x5  }
0x16c: {  	_ =	swait.ge @!p0 [sflag:s0], s1  }
0x16d: {  	s1 =	ssub.s32 @!p0 $0x0, s1;
	[sflag:s0] =	ssyncset.done @!p0 $0x0  }
0x16e: {  	[sflag:s0] =	ssyncadd.s32 @!p0 s1  }
0x16f: {  	[bflag:$0x3] =	sbarrier.arrive $0xFFFF  }
0x170: {  	_ =	shalt  }

</sc_bundles>
